<compile_context>
chip_gen: v7x
topology: tpu7x:2x2x1
jax: 0.10.2.dev20260603
libtpu: 0.0.44.dev20260713+nightly
codegen_flags: <defaults>
</compile_context>

<pallas_src>
import functools

import jax
import jax.numpy as jnp
from jax import lax
from jax.experimental import pallas as pl
from jax.experimental.pallas import tpu as pltpu
from jax.experimental.pallas import tpu_sc as plsc

B = 2
N = 8192
D = 64
NPOINT = 1024
NSAMPLE = 16
WEIGHTNET = 16
IN_CHANNEL = 3 + D
OUT_CHANNEL = 64
SUBR = 8
LANES = N // SUBR


def _opaque(x, z):
    return lax.bitcast_convert_type(
        lax.bitcast_convert_type(x, jnp.int32) + z, jnp.float32)


def _fma_sq_add(a, b, z):
    ai = lax.bitcast_convert_type(a, jnp.int32)
    hi = lax.bitcast_convert_type(ai & jnp.int32(~0xFFF), jnp.float32)
    lo = a - hi
    p = a * a
    e = ((hi * hi - p) + (hi * lo + hi * lo)) + lo * lo
    s = p + b
    s_ = _opaque(s, z)
    bb = _opaque(s_ - p, z)
    e2 = (p - (s_ - bb)) + (b - bb)
    return s_ + (e + e2)


def _fps_body(xyz48_ref, xyzt2_ref, zero_ref, newxyz_ref):
    row = lax.broadcasted_iota(jnp.int32, (2 * SUBR, LANES), 0) % SUBR
    col = lax.broadcasted_iota(jnp.int32, (2 * SUBR, LANES), 1)
    gidx2 = row * LANES + col
    big = jnp.int32(2 * N)
    zero2 = jnp.zeros((1, 2), dtype=jnp.float32)
    z = zero_ref[0, 0]

    def body(i, carry):
        dist, f0, f1 = carry
        c0 = xyzt2_ref[pl.ds(f0, 1), :]
        c1 = xyzt2_ref[pl.ds(f1 + N, 1), :]
        colv = jnp.concatenate(
            [c0[0:1, 0:1], c1[0:1, 0:1],
             c0[0:1, 1:2], c1[0:1, 1:2],
             c0[0:1, 2:3], c1[0:1, 2:3]], axis=0)
        rowv = jnp.concatenate(
            [c0[0:1, 0:1], c1[0:1, 0:1],
             c0[0:1, 1:2], c1[0:1, 1:2],
             c0[0:1, 2:3], c1[0:1, 2:3], zero2], axis=1)
        newxyz_ref[pl.ds(i, 1), :] = rowv
        c48 = jnp.repeat(colv, SUBR, axis=0)
        diff = xyz48_ref[...] - c48
        dz = diff[32:48]
        d = _fma_sq_add(diff[0:16],
                        _fma_sq_add(diff[16:32], dz * dz, z), z)
        dist = jnp.minimum(dist, d)
        rm = jnp.max(dist, axis=1, keepdims=True)
        m0 = jnp.max(rm[0:SUBR])
        m1 = jnp.max(rm[SUBR:2 * SUBR])
        mb = jnp.concatenate([jnp.broadcast_to(m0, (SUBR, 1)),
                              jnp.broadcast_to(m1, (SUBR, 1))], axis=0)
        cand = jnp.where(dist == mb, gidx2, big)
        cm = jnp.min(cand, axis=1, keepdims=True)
        nf0 = jnp.min(cm[0:SUBR]).astype(jnp.int32)
        nf1 = jnp.min(cm[SUBR:2 * SUBR]).astype(jnp.int32)
        return dist, nf0, nf1

    dist0 = jnp.full((2 * SUBR, LANES), 1e10, dtype=jnp.float32)
    lax.fori_loop(0, NPOINT, body,
                  (dist0, jnp.int32(0), jnp.int32(0)))


def _run_fps(xyz):
    xyz48 = xyz.reshape(B, 3, SUBR, LANES).transpose(1, 0, 2, 3).reshape(
        3 * B * SUBR, LANES)
    xyzt2 = xyz.transpose(0, 2, 1).reshape(B * N, 3)
    zero = jnp.zeros((1, 128), dtype=jnp.int32)
    newxyz8 = pl.pallas_call(
        _fps_body,
        out_shape=jax.ShapeDtypeStruct((NPOINT, 8), jnp.float32),
    )(xyz48, xyzt2, zero)
    return newxyz8[:, :6].reshape(NPOINT, 3, B).transpose(2, 1, 0)


QBLK = 256


def _knn_body(q_ref, xyz3_ref, zero_ref, knn_ref):
    q = q_ref[0]
    xyz3 = xyz3_ref[0]
    z = zero_ref[0, 0]
    mm = jnp.dot(q, xyz3, preferred_element_type=jnp.float32)
    qn = _fma_sq_add(q[:, 0:1],
                     _fma_sq_add(q[:, 1:2], q[:, 2:3] * q[:, 2:3], z), z)
    xn = _fma_sq_add(xyz3[0:1],
                     _fma_sq_add(xyz3[1:2], xyz3[2:3] * xyz3[2:3], z), z)
    d = (-2.0 * mm + qn) + xn
    iota = lax.broadcasted_iota(jnp.int32, (QBLK, N), 1)
    big = jnp.int32(2 * N)
    inf = jnp.float32(jnp.inf)
    cols = []
    for _ in range(NSAMPLE):
        m = jnp.min(d, axis=1, keepdims=True)
        idxsel = jnp.where(d == m, iota, big)
        idx = jnp.min(idxsel, axis=1, keepdims=True)
        cols.append(idx)
        d = jnp.where(idxsel == idx, inf, d)
    knn_ref[0] = jnp.concatenate(cols, axis=1)


def _run_knn(new_xyz, xyz):
    q = new_xyz.transpose(0, 2, 1)
    zero = jnp.zeros((1, 128), dtype=jnp.int32)
    grid = (B, NPOINT // QBLK)
    return pl.pallas_call(
        _knn_body,
        grid=grid,
        in_specs=[
            pl.BlockSpec((1, QBLK, 3), lambda b, j: (b, j, 0)),
            pl.BlockSpec((1, 3, N), lambda b, j: (b, 0, 0)),
            pl.BlockSpec((1, 128), lambda b, j: (0, 0)),
        ],
        out_specs=pl.BlockSpec((1, QBLK, NSAMPLE), lambda b, j: (b, j, 0)),
        out_shape=jax.ShapeDtypeStruct((B, NPOINT, NSAMPLE), jnp.int32),
    )(q, xyz, zero)


GROW = 128
NWORK = 32
RPW = (B * NPOINT * NSAMPLE) // NWORK
ICHUNK = 128
NCH = RPW // ICHUNK
HALF = RPW // 2


def _gather_sc_body(tbl_hbm, idx_hbm, out_hbm, idx_v, rows_v, sem):
    wid = lax.axis_index("s") * 2 + lax.axis_index("c")
    pltpu.sync_copy(idx_hbm.at[wid], idx_v)
    for h in range(2):
        cps = []
        for j in range(NCH // 2):
            cps.append(pltpu.async_copy(
                tbl_hbm.at[idx_v.at[h * (NCH // 2) + j]],
                rows_v.at[pl.ds(j * ICHUNK, ICHUNK)], sem))
        for cp in cps:
            cp.wait()
        pltpu.sync_copy(rows_v, out_hbm.at[pl.ds(wid * RPW + h * HALF, HALF)])


def _run_gather_sc(tbl, gidx):
    idx3 = gidx.reshape(NWORK, NCH, ICHUNK)
    mesh = plsc.VectorSubcoreMesh(core_axis_name="c", subcore_axis_name="s")
    f = functools.partial(
        pl.kernel, mesh=mesh,
        out_type=jax.ShapeDtypeStruct((B * NPOINT * NSAMPLE, GROW),
                                      jnp.float32),
        scratch_types=[
            pltpu.VMEM((NCH, ICHUNK), jnp.int32),
            pltpu.VMEM((HALF, GROW), jnp.float32),
            pltpu.SemaphoreType.DMA,
        ],
    )(_gather_sc_body)
    return f(tbl, idx3)


DQ = 128


def _dense_body(g_ref, nx_ref, w1t_ref, b1_ref, w2t_ref, b2_ref, w3t_ref,
                b3_ref, L_ref, T16_ref, S_ref, rep_ref, linb_ref, out_ref):
    g = g_ref[...]
    nx = nx_ref[...]
    rep = jnp.dot(rep_ref[...], nx, preferred_element_type=jnp.float32)
    rel = g[:, 0:3] - rep
    h = jnp.maximum(
        jnp.dot(rel, w1t_ref[...], preferred_element_type=jnp.float32)
        + b1_ref[...], 0.0)
    h = jnp.maximum(
        jnp.dot(h, w2t_ref[...], preferred_element_type=jnp.float32)
        + b2_ref[...], 0.0)
    w = jnp.maximum(
        jnp.dot(h, w3t_ref[...], preferred_element_type=jnp.float32)
        + b3_ref[...], 0.0)
    npmat = jnp.concatenate([rel, g[:, 16:80]], axis=1)
    C = jnp.dot(npmat, L_ref[...], preferred_element_type=jnp.float32)
    Wt = jnp.dot(w, T16_ref[...], preferred_element_type=jnp.float32)
    R = jnp.dot(C * Wt, S_ref[...], preferred_element_type=jnp.float32)
    o = jnp.sum(R.reshape(DQ, NSAMPLE, OUT_CHANNEL), axis=1)
    o = o + linb_ref[...]
    out_ref[...] = jnp.where(o > 0, o, 0.1 * o)


def _run_dense(gathered, new_xyz, w1, b1, w2, b2, w3, b3, lin_w, lin_b):
    nxq = new_xyz.transpose(0, 2, 1).reshape(B * NPOINT, 3)
    L = lin_w.reshape(OUT_CHANNEL, IN_CHANNEL, WEIGHTNET).transpose(
        1, 0, 2).reshape(IN_CHANNEL, OUT_CHANNEL * WEIGHTNET)
    T16 = jnp.tile(jnp.eye(WEIGHTNET, dtype=jnp.float32), (1, OUT_CHANNEL))
    S = jnp.repeat(jnp.eye(OUT_CHANNEL, dtype=jnp.float32), WEIGHTNET,
                   axis=0)
    rep = jnp.repeat(jnp.eye(DQ, dtype=jnp.float32), NSAMPLE, axis=0)
    nblk = (B * NPOINT) // DQ
    full = lambda shape: pl.BlockSpec(shape, lambda j: tuple(0 for _ in shape))
    out = pl.pallas_call(
        _dense_body,
        grid=(nblk,),
        in_specs=[
            pl.BlockSpec((DQ * NSAMPLE, GROW), lambda j: (j, 0)),
            pl.BlockSpec((DQ, 3), lambda j: (j, 0)),
            full((3, 8)), full((1, 8)), full((8, 8)), full((1, 8)),
            full((8, WEIGHTNET)), full((1, WEIGHTNET)),
            full((IN_CHANNEL, OUT_CHANNEL * WEIGHTNET)),
            full((WEIGHTNET, OUT_CHANNEL * WEIGHTNET)),
            full((OUT_CHANNEL * WEIGHTNET, OUT_CHANNEL)),
            full((DQ * NSAMPLE, DQ)),
            full((1, OUT_CHANNEL)),
        ],
        out_specs=pl.BlockSpec((DQ, OUT_CHANNEL), lambda j: (j, 0)),
        out_shape=jax.ShapeDtypeStruct((B * NPOINT, OUT_CHANNEL),
                                       jnp.float32),
    )(gathered, nxq, w1.T, b1.reshape(1, 8), w2.T, b2.reshape(1, 8),
      w3.T, b3.reshape(1, WEIGHTNET), L, T16, S, rep,
      lin_b.reshape(1, OUT_CHANNEL))
    return out


def kernel(xyz, points, w1, b1, w2, b2, w3, b3, lin_w, lin_b):
    new_xyz = _run_fps(xyz)
    knn = _run_knn(new_xyz, xyz)
    tbl = jnp.concatenate(
        [xyz.transpose(0, 2, 1),
         jnp.zeros((B, N, 13), dtype=jnp.float32),
         points.transpose(0, 2, 1),
         jnp.zeros((B, N, GROW - 80), dtype=jnp.float32)],
        axis=-1).reshape(B * N, GROW)
    gidx = (knn + (jnp.arange(B, dtype=jnp.int32) * N)[:, None, None]
            ).reshape(B * NPOINT * NSAMPLE)
    gathered = _run_gather_sc(tbl, gidx)
    out = _run_dense(gathered, new_xyz, w1, b1, w2, b2, w3, b3, lin_w, lin_b)
    out = out.reshape(B, NPOINT, OUT_CHANNEL).transpose(0, 2, 1)
    return new_xyz, out

# --- scband reference (transcript-rebuilt; emitter-appended) ---
"""Pipeline reference for scband-point-conv-d-5291399708681 (READ-ONLY COPY).

The authoritative reference and input builder live on the scoring server;
editing this copy changes nothing except your own understanding.
"""

import jax, jax.numpy as jnp
import numpy as np

B, N, D = 2, 8192, 64
NPOINT = 1024
NSAMPLE = 16
WEIGHTNET = 16
IN_CHANNEL = 3 + D
OUT_CHANNEL = 64


def _uniform(k, shape, fan_in):
    bound = 1.0 / np.sqrt(fan_in)
    return jax.random.uniform(k, shape, minval=-bound, maxval=bound, dtype=jnp.float32)


def setup_inputs(seed: int = 0):
    key = jax.random.key(seed)
    ks = jax.random.split(key, 12)
    xyz = jax.random.normal(ks[0], (B, 3, N), dtype=jnp.float32)
    points = jax.random.normal(ks[1], (B, D, N), dtype=jnp.float32)
    w1 = _uniform(ks[2], (8, 3), 3)
    b1 = _uniform(ks[3], (8,), 3)
    w2 = _uniform(ks[4], (8, 8), 8)
    b2 = _uniform(ks[5], (8,), 8)
    w3 = _uniform(ks[6], (WEIGHTNET, 8), 8)
    b3 = _uniform(ks[7], (WEIGHTNET,), 8)
    lin_in = WEIGHTNET * IN_CHANNEL
    lin_w = _uniform(ks[8], (OUT_CHANNEL, lin_in), lin_in)
    lin_b = _uniform(ks[9], (OUT_CHANNEL,), lin_in)
    return {"xyz": xyz, "points": points, "w1": w1, "b1": b1, "w2": w2, "b2": b2, "w3": w3, "b3": b3, "lin_w": lin_w, "lin_b": lin_b}


def _fps(xyz_bnc, npoint):
    def single(pts):
        n = pts.shape[0]
        def body(i, state):
            dist, farthest, idxs = state
            idxs = idxs.at[i].set(farthest)
            centroid = pts[farthest]
            d = jnp.sum((pts - centroid) ** 2, axis=-1)
            dist = jnp.minimum(dist, d)
            farthest = jnp.argmax(dist).astype(jnp.int32)
            return (dist, farthest, idxs)
        dist0 = jnp.full((n,), 1e10, dtype=jnp.float32)
        idxs0 = jnp.zeros((npoint,), dtype=jnp.int32)
        _, _, idxs = jax.lax.fori_loop(0, npoint, body, (dist0, jnp.array(0, dtype=jnp.int32), idxs0))
        return idxs
    return jax.vmap(single)(xyz_bnc)


def _gather(points_bnc, idx):
    return jax.vmap(lambda p, i: p[i])(points_bnc, idx)


def _square_distance(src, dst):
    dist = -2.0 * jnp.matmul(src, dst.transpose(0, 2, 1))
    dist = dist + jnp.sum(src ** 2, axis=-1)[:, :, None]
    dist = dist + jnp.sum(dst ** 2, axis=-1)[:, None, :]
    return dist


def _forward(xyz, points, w1, b1, w2, b2, w3, b3, lin_w, lin_b):
    xyz_t = xyz.transpose(0, 2, 1)
    pts_t = points.transpose(0, 2, 1)
    fps_idx = _fps(xyz_t, NPOINT)
    new_xyz = _gather(xyz_t, fps_idx)
    sqrdists = _square_distance(new_xyz, xyz_t)
    _, knn_idx = jax.lax.top_k(-sqrdists, NSAMPLE)
    grouped_xyz = _gather(xyz_t, knn_idx)
    grouped_xyz_norm = grouped_xyz - new_xyz[:, :, None, :]
    grouped_points = _gather(pts_t, knn_idx)
    new_points = jnp.concatenate([grouped_xyz_norm, grouped_points], axis=-1)
    gx = grouped_xyz_norm.transpose(0, 3, 2, 1)
    def conv(x, W, b):
        return jnp.einsum('oi,biks->boks', W, x) + b[None, :, None, None]
    w = jax.nn.relu(conv(gx, w1, b1))
    w = jax.nn.relu(conv(w, w2, b2))
    w = jax.nn.relu(conv(w, w3, b3))
    np_perm = new_points.transpose(0, 1, 3, 2)
    w_perm = w.transpose(0, 3, 2, 1)
    out = jnp.matmul(np_perm, w_perm).reshape(B, NPOINT, -1)
    out = out @ lin_w.T + lin_b
    out = out.transpose(0, 2, 1)
    out = jnp.where(out > 0, out, 0.1 * out)
    return new_xyz.transpose(0, 2, 1), out


def reference(xyz, points, w1, b1, w2, b2, w3, b3, lin_w, lin_b):
    return _forward(xyz, points, w1, b1, w2, b2, w3, b3, lin_w, lin_b)

if __name__ == "__main__":
    import jax
    _d = setup_inputs()
    print(jax.jit(kernel)(*tuple(_d.values())))

</pallas_src>

<mosaic_0001>
#map = affine_map<(d0, d1) -> (0, 0)>
#map1 = affine_map<(d0, d1) -> (0, 0, 0)>
module attributes {stable_mosaic.version = 14 : i64} {
  func.func @_gather_sc_body(%arg0: i32, %arg1: i32, %arg2: memref<16384x128xf32, #tpu.memory_space<hbm>>, %arg3: memref<32x8x128xi32, #tpu.memory_space<hbm>>, %arg4: memref<32768x128xf32, #tpu.memory_space<hbm>>, %arg5: memref<8x128xi32, #tpu.memory_space<vmem>>, %arg6: memref<512x128xf32, #tpu.memory_space<vmem>>, %arg7: memref<!tpu.dma_semaphore, #tpu.memory_space<semaphore_mem>>) attributes {dimension_semantics = [#tpu.dimension_semantics<core_parallel>, #tpu.dimension_semantics<subcore_parallel>], iteration_bounds = array<i64: 2, 16>, scalar_prefetch = 0 : i64, scratch_operands = 3 : i64, tpu.core_type = #tpu.core_type<sc_vector_subcore>, window_params = [{transform_indices = #map}, {transform_indices = #map1}, {transform_indices = #map}]} {
    %mul3A = arith.constant 2 : i32
    %mul3A_0 = arith.muli %arg1, %mul3A : i32
    %add3A = arith.addi %mul3A_0, %arg0 : i32
    "tpu.region"() ({
      %run_scoped3A = tpu.sem_alloc : memref<!tpu.dma_semaphore, #tpu.memory_space<semaphore_mem>>
      %dma_start3A_167 = arith.constant 0 : i32
      %dma_start3A_168 = arith.constant 0 : i32
      %dma_start3A_169 = tpu.memref_slice %arg3[%add3A, %dma_start3A_167, %dma_start3A_168] : memref<32x8x128xi32, #tpu.memory_space<hbm>> -> memref<1x8x128xi32, #tpu.memory_space<hbm>>
      %dma_start3A_170 = tpu.memref_squeeze %dma_start3A_169 : memref<1x8x128xi32, #tpu.memory_space<hbm>> -> memref<8x128xi32, #tpu.memory_space<hbm>>
      %dma_start3A_171 = arith.constant 0 : i32
      %dma_start3A_172 = arith.constant 0 : i32
      %dma_start3A_173 = tpu.memref_slice %arg3[%add3A, %dma_start3A_171, %dma_start3A_172] : memref<32x8x128xi32, #tpu.memory_space<hbm>> -> memref<1x8x128xi32, #tpu.memory_space<hbm>>
      %dma_start3A_174 = tpu.memref_squeeze %dma_start3A_173 : memref<1x8x128xi32, #tpu.memory_space<hbm>> -> memref<8x128xi32, #tpu.memory_space<hbm>>
      tpu.enqueue_dma source(%dma_start3A_174 : memref<8x128xi32, #tpu.memory_space<hbm>>) target(%arg5 : memref<8x128xi32, #tpu.memory_space<vmem>>) target_semaphore(%run_scoped3A : memref<!tpu.dma_semaphore, #tpu.memory_space<semaphore_mem>>)
      %dma_wait3A_175 = arith.constant 0 : i32
      %dma_wait3A_176 = arith.constant 0 : i32
      %dma_wait3A_177 = tpu.memref_slice %arg3[%add3A, %dma_wait3A_175, %dma_wait3A_176] : memref<32x8x128xi32, #tpu.memory_space<hbm>> -> memref<1x8x128xi32, #tpu.memory_space<hbm>>
      %dma_wait3A_178 = tpu.memref_squeeze %dma_wait3A_177 : memref<1x8x128xi32, #tpu.memory_space<hbm>> -> memref<8x128xi32, #tpu.memory_space<hbm>>
      %dma_wait3A_179 = arith.constant 0 : i32
      %dma_wait3A_180 = arith.constant 0 : i32
      %dma_wait3A_181 = tpu.memref_slice %arg3[%add3A, %dma_wait3A_179, %dma_wait3A_180] : memref<32x8x128xi32, #tpu.memory_space<hbm>> -> memref<1x8x128xi32, #tpu.memory_space<hbm>>
      %dma_wait3A_182 = tpu.memref_squeeze %dma_wait3A_181 : memref<1x8x128xi32, #tpu.memory_space<hbm>> -> memref<8x128xi32, #tpu.memory_space<hbm>>
      tpu.wait_dma2 semaphore(%run_scoped3A : memref<!tpu.dma_semaphore, #tpu.memory_space<semaphore_mem>>) src(%dma_wait3A_182 : memref<8x128xi32, #tpu.memory_space<hbm>>) dst(%arg5 : memref<8x128xi32, #tpu.memory_space<vmem>>)
      tpu.yield
    }) : () -> ()
    %dma_start3A = arith.constant 0 : i32
    %dma_start3A_1 = arith.constant 0 : i32
    %dma_start3A_2 = arith.constant 0 : i32
    %dma_start3A_3 = tpu.memref_slice %arg6[%dma_start3A_1, %dma_start3A_2] : memref<512x128xf32, #tpu.memory_space<vmem>> -> memref<128x128xf32, #tpu.memory_space<vmem>>
    %dma_start3A_4 = arith.constant 0 : i32
    %dma_start3A_5 = tpu.memref_slice %arg5[%dma_start3A, %dma_start3A_4] : memref<8x128xi32, #tpu.memory_space<vmem>> -> memref<1x128xi32, #tpu.memory_space<vmem>>
    %dma_start3A_6 = tpu.memref_squeeze %dma_start3A_5 : memref<1x128xi32, #tpu.memory_space<vmem>> -> memref<128xi32, #tpu.memory_space<vmem>>
    %dma_start3A_7 = arith.constant 0 : i32
    %dma_start3A_8 = arith.constant 0 : i32
    %dma_start3A_9 = tpu.memref_slice %arg2[%dma_start3A_7, %dma_start3A_8] : memref<16384x128xf32, #tpu.memory_space<hbm>> -> memref<16384x128xf32, #tpu.memory_space<hbm>>
    tpu.enqueue_indirect_dma source(%dma_start3A_9 : memref<16384x128xf32, #tpu.memory_space<hbm>>) target(%dma_start3A_3 : memref<128x128xf32, #tpu.memory_space<vmem>>) offsets(%dma_start3A_6 : memref<128xi32, #tpu.memory_space<vmem>>) semaphore(%arg7 : memref<!tpu.dma_semaphore, #tpu.memory_space<semaphore_mem>>)
    %dma_start3A_10 = arith.constant 1 : i32
    %dma_start3A_11 = arith.constant 128 : i32
    %dma_start3A_12 = arith.constant 0 : i32
    %dma_start3A_13 = tpu.memref_slice %arg6[%dma_start3A_11, %dma_start3A_12] : memref<512x128xf32, #tpu.memory_space<vmem>> -> memref<128x128xf32, #tpu.memory_space<vmem>>
    %dma_start3A_14 = arith.constant 0 : i32
    %dma_start3A_15 = tpu.memref_slice %arg5[%dma_start3A_10, %dma_start3A_14] : memref<8x128xi32, #tpu.memory_space<vmem>> -> memref<1x128xi32, #tpu.memory_space<vmem>>
    %dma_start3A_16 = tpu.memref_squeeze %dma_start3A_15 : memref<1x128xi32, #tpu.memory_space<vmem>> -> memref<128xi32, #tpu.memory_space<vmem>>
    %dma_start3A_17 = arith.constant 0 : i32
    %dma_start3A_18 = arith.constant 0 : i32
    %dma_start3A_19 = tpu.memref_slice %arg2[%dma_start3A_17, %dma_start3A_18] : memref<16384x128xf32, #tpu.memory_space<hbm>> -> memref<16384x128xf32, #tpu.memory_space<hbm>>
    tpu.enqueue_indirect_dma source(%dma_start3A_19 : memref<16384x128xf32, #tpu.memory_space<hbm>>) target(%dma_start3A_13 : memref<128x128xf32, #tpu.memory_space<vmem>>) offsets(%dma_start3A_16 : memref<128xi32, #tpu.memory_space<vmem>>) semaphore(%arg7 : memref<!tpu.dma_semaphore, #tpu.memory_space<semaphore_mem>>)
    %dma_start3A_20 = arith.constant 2 : i32
    %dma_start3A_21 = arith.constant 256 : i32
    %dma_start3A_22 = arith.constant 0 : i32
    %dma_start3A_23 = tpu.memref_slice %arg6[%dma_start3A_21, %dma_start3A_22] : memref<512x128xf32, #tpu.memory_space<vmem>> -> memref<128x128xf32, #tpu.memory_space<vmem>>
    %dma_start3A_24 = arith.constant 0 : i32
    %dma_start3A_25 = tpu.memref_slice %arg5[%dma_start3A_20, %dma_start3A_24] : memref<8x128xi32, #tpu.memory_space<vmem>> -> memref<1x128xi32, #tpu.memory_space<vmem>>
    %dma_start3A_26 = tpu.memref_squeeze %dma_start3A_25 : memref<1x128xi32, #tpu.memory_space<vmem>> -> memref<128xi32, #tpu.memory_space<vmem>>
    %dma_start3A_27 = arith.constant 0 : i32
    %dma_start3A_28 = arith.constant 0 : i32
    %dma_start3A_29 = tpu.memref_slice %arg2[%dma_start3A_27, %dma_start3A_28] : memref<16384x128xf32, #tpu.memory_space<hbm>> -> memref<16384x128xf32, #tpu.memory_space<hbm>>
    tpu.enqueue_indirect_dma source(%dma_start3A_29 : memref<16384x128xf32, #tpu.memory_space<hbm>>) target(%dma_start3A_23 : memref<128x128xf32, #tpu.memory_space<vmem>>) offsets(%dma_start3A_26 : memref<128xi32, #tpu.memory_space<vmem>>) semaphore(%arg7 : memref<!tpu.dma_semaphore, #tpu.memory_space<semaphore_mem>>)
    %dma_start3A_30 = arith.constant 3 : i32
    %dma_start3A_31 = arith.constant 384 : i32
    %dma_start3A_32 = arith.constant 0 : i32
    %dma_start3A_33 = tpu.memref_slice %arg6[%dma_start3A_31, %dma_start3A_32] : memref<512x128xf32, #tpu.memory_space<vmem>> -> memref<128x128xf32, #tpu.memory_space<vmem>>
    %dma_start3A_34 = arith.constant 0 : i32
    %dma_start3A_35 = tpu.memref_slice %arg5[%dma_start3A_30, %dma_start3A_34] : memref<8x128xi32, #tpu.memory_space<vmem>> -> memref<1x128xi32, #tpu.memory_space<vmem>>
    %dma_start3A_36 = tpu.memref_squeeze %dma_start3A_35 : memref<1x128xi32, #tpu.memory_space<vmem>> -> memref<128xi32, #tpu.memory_space<vmem>>
    %dma_start3A_37 = arith.constant 0 : i32
    %dma_start3A_38 = arith.constant 0 : i32
    %dma_start3A_39 = tpu.memref_slice %arg2[%dma_start3A_37, %dma_start3A_38] : memref<16384x128xf32, #tpu.memory_space<hbm>> -> memref<16384x128xf32, #tpu.memory_space<hbm>>
    tpu.enqueue_indirect_dma source(%dma_start3A_39 : memref<16384x128xf32, #tpu.memory_space<hbm>>) target(%dma_start3A_33 : memref<128x128xf32, #tpu.memory_space<vmem>>) offsets(%dma_start3A_36 : memref<128xi32, #tpu.memory_space<vmem>>) semaphore(%arg7 : memref<!tpu.dma_semaphore, #tpu.memory_space<semaphore_mem>>)
    %dma_wait3A = arith.constant 0 : i32
    %dma_wait3A_40 = arith.constant 0 : i32
    %dma_wait3A_41 = arith.constant 0 : i32
    %dma_wait3A_42 = tpu.memref_slice %arg6[%dma_wait3A_40, %dma_wait3A_41] : memref<512x128xf32, #tpu.memory_space<vmem>> -> memref<128x128xf32, #tpu.memory_space<vmem>>
    %dma_wait3A_43 = arith.constant 0 : i32
    %dma_wait3A_44 = tpu.memref_slice %arg5[%dma_wait3A, %dma_wait3A_43] : memref<8x128xi32, #tpu.memory_space<vmem>> -> memref<1x128xi32, #tpu.memory_space<vmem>>
    %dma_wait3A_45 = tpu.memref_squeeze %dma_wait3A_44 : memref<1x128xi32, #tpu.memory_space<vmem>> -> memref<128xi32, #tpu.memory_space<vmem>>
    %dma_wait3A_46 = arith.constant 0 : i32
    %dma_wait3A_47 = arith.constant 0 : i32
    %dma_wait3A_48 = tpu.memref_slice %arg2[%dma_wait3A_46, %dma_wait3A_47] : memref<16384x128xf32, #tpu.memory_space<hbm>> -> memref<16384x128xf32, #tpu.memory_space<hbm>>
    tpu.wait_indirect_dma semaphore(%arg7 : memref<!tpu.dma_semaphore, #tpu.memory_space<semaphore_mem>>) src(%dma_wait3A_48 : memref<16384x128xf32, #tpu.memory_space<hbm>>) dst(%dma_wait3A_42 : memref<128x128xf32, #tpu.memory_space<vmem>>)
    %dma_wait3A_49 = arith.constant 1 : i32
    %dma_wait3A_50 = arith.constant 128 : i32
    %dma_wait3A_51 = arith.constant 0 : i32
    %dma_wait3A_52 = tpu.memref_slice %arg6[%dma_wait3A_50, %dma_wait3A_51] : memref<512x128xf32, #tpu.memory_space<vmem>> -> memref<128x128xf32, #tpu.memory_space<vmem>>
    %dma_wait3A_53 = arith.constant 0 : i32
    %dma_wait3A_54 = tpu.memref_slice %arg5[%dma_wait3A_49, %dma_wait3A_53] : memref<8x128xi32, #tpu.memory_space<vmem>> -> memref<1x128xi32, #tpu.memory_space<vmem>>
    %dma_wait3A_55 = tpu.memref_squeeze %dma_wait3A_54 : memref<1x128xi32, #tpu.memory_space<vmem>> -> memref<128xi32, #tpu.memory_space<vmem>>
    %dma_wait3A_56 = arith.constant 0 : i32
    %dma_wait3A_57 = arith.constant 0 : i32
    %dma_wait3A_58 = tpu.memref_slice %arg2[%dma_wait3A_56, %dma_wait3A_57] : memref<16384x128xf32, #tpu.memory_space<hbm>> -> memref<16384x128xf32, #tpu.memory_space<hbm>>
    tpu.wait_indirect_dma semaphore(%arg7 : memref<!tpu.dma_semaphore, #tpu.memory_space<semaphore_mem>>) src(%dma_wait3A_58 : memref<16384x128xf32, #tpu.memory_space<hbm>>) dst(%dma_wait3A_52 : memref<128x128xf32, #tpu.memory_space<vmem>>)
    %dma_wait3A_59 = arith.constant 2 : i32
    %dma_wait3A_60 = arith.constant 256 : i32
    %dma_wait3A_61 = arith.constant 0 : i32
    %dma_wait3A_62 = tpu.memref_slice %arg6[%dma_wait3A_60, %dma_wait3A_61] : memref<512x128xf32, #tpu.memory_space<vmem>> -> memref<128x128xf32, #tpu.memory_space<vmem>>
    %dma_wait3A_63 = arith.constant 0 : i32
    %dma_wait3A_64 = tpu.memref_slice %arg5[%dma_wait3A_59, %dma_wait3A_63] : memref<8x128xi32, #tpu.memory_space<vmem>> -> memref<1x128xi32, #tpu.memory_space<vmem>>
    %dma_wait3A_65 = tpu.memref_squeeze %dma_wait3A_64 : memref<1x128xi32, #tpu.memory_space<vmem>> -> memref<128xi32, #tpu.memory_space<vmem>>
    %dma_wait3A_66 = arith.constant 0 : i32
    %dma_wait3A_67 = arith.constant 0 : i32
    %dma_wait3A_68 = tpu.memref_slice %arg2[%dma_wait3A_66, %dma_wait3A_67] : memref<16384x128xf32, #tpu.memory_space<hbm>> -> memref<16384x128xf32, #tpu.memory_space<hbm>>
    tpu.wait_indirect_dma semaphore(%arg7 : memref<!tpu.dma_semaphore, #tpu.memory_space<semaphore_mem>>) src(%dma_wait3A_68 : memref<16384x128xf32, #tpu.memory_space<hbm>>) dst(%dma_wait3A_62 : memref<128x128xf32, #tpu.memory_space<vmem>>)
    %dma_wait3A_69 = arith.constant 3 : i32
    %dma_wait3A_70 = arith.constant 384 : i32
    %dma_wait3A_71 = arith.constant 0 : i32
    %dma_wait3A_72 = tpu.memref_slice %arg6[%dma_wait3A_70, %dma_wait3A_71] : memref<512x128xf32, #tpu.memory_space<vmem>> -> memref<128x128xf32, #tpu.memory_space<vmem>>
    %dma_wait3A_73 = arith.constant 0 : i32
    %dma_wait3A_74 = tpu.memref_slice %arg5[%dma_wait3A_69, %dma_wait3A_73] : memref<8x128xi32, #tpu.memory_space<vmem>> -> memref<1x128xi32, #tpu.memory_space<vmem>>
    %dma_wait3A_75 = tpu.memref_squeeze %dma_wait3A_74 : memref<1x128xi32, #tpu.memory_space<vmem>> -> memref<128xi32, #tpu.memory_space<vmem>>
    %dma_wait3A_76 = arith.constant 0 : i32
    %dma_wait3A_77 = arith.constant 0 : i32
    %dma_wait3A_78 = tpu.memref_slice %arg2[%dma_wait3A_76, %dma_wait3A_77] : memref<16384x128xf32, #tpu.memory_space<hbm>> -> memref<16384x128xf32, #tpu.memory_space<hbm>>
    tpu.wait_indirect_dma semaphore(%arg7 : memref<!tpu.dma_semaphore, #tpu.memory_space<semaphore_mem>>) src(%dma_wait3A_78 : memref<16384x128xf32, #tpu.memory_space<hbm>>) dst(%dma_wait3A_72 : memref<128x128xf32, #tpu.memory_space<vmem>>)
    %mul3A_79 = arith.constant 1024 : i32
    %mul3A_80 = arith.muli %add3A, %mul3A_79 : i32
    %add3A_81 = arith.constant 0 : i32
    %add3A_82 = arith.addi %mul3A_80, %add3A_81 : i32
    "tpu.region"() ({
      %run_scoped3A = tpu.sem_alloc : memref<!tpu.dma_semaphore, #tpu.memory_space<semaphore_mem>>
      %dma_start3A_167 = arith.constant 0 : i32
      %dma_start3A_168 = tpu.memref_slice %arg4[%add3A_82, %dma_start3A_167] : memref<32768x128xf32, #tpu.memory_space<hbm>> -> memref<512x128xf32, #tpu.memory_space<hbm>>
      %dma_start3A_169 = arith.constant 0 : i32
      %dma_start3A_170 = tpu.memref_slice %arg4[%add3A_82, %dma_start3A_169] : memref<32768x128xf32, #tpu.memory_space<hbm>> -> memref<512x128xf32, #tpu.memory_space<hbm>>
      tpu.enqueue_dma source(%arg6 : memref<512x128xf32, #tpu.memory_space<vmem>>) target(%dma_start3A_170 : memref<512x128xf32, #tpu.memory_space<hbm>>) target_semaphore(%run_scoped3A : memref<!tpu.dma_semaphore, #tpu.memory_space<semaphore_mem>>)
      %dma_wait3A_171 = arith.constant 0 : i32
      %dma_wait3A_172 = tpu.memref_slice %arg4[%add3A_82, %dma_wait3A_171] : memref<32768x128xf32, #tpu.memory_space<hbm>> -> memref<512x128xf32, #tpu.memory_space<hbm>>
      %dma_wait3A_173 = arith.constant 0 : i32
      %dma_wait3A_174 = tpu.memref_slice %arg4[%add3A_82, %dma_wait3A_173] : memref<32768x128xf32, #tpu.memory_space<hbm>> -> memref<512x128xf32, #tpu.memory_space<hbm>>
      tpu.wait_dma2 semaphore(%run_scoped3A : memref<!tpu.dma_semaphore, #tpu.memory_space<semaphore_mem>>) src(%arg6 : memref<512x128xf32, #tpu.memory_space<vmem>>) dst(%dma_wait3A_174 : memref<512x128xf32, #tpu.memory_space<hbm>>)
      tpu.yield
    }) : () -> ()
    %dma_start3A_83 = arith.constant 4 : i32
    %dma_start3A_84 = arith.constant 0 : i32
    %dma_start3A_85 = arith.constant 0 : i32
    %dma_start3A_86 = tpu.memref_slice %arg6[%dma_start3A_84, %dma_start3A_85] : memref<512x128xf32, #tpu.memory_space<vmem>> -> memref<128x128xf32, #tpu.memory_space<vmem>>
    %dma_start3A_87 = arith.constant 0 : i32
    %dma_start3A_88 = tpu.memref_slice %arg5[%dma_start3A_83, %dma_start3A_87] : memref<8x128xi32, #tpu.memory_space<vmem>> -> memref<1x128xi32, #tpu.memory_space<vmem>>
    %dma_start3A_89 = tpu.memref_squeeze %dma_start3A_88 : memref<1x128xi32, #tpu.memory_space<vmem>> -> memref<128xi32, #tpu.memory_space<vmem>>
    %dma_start3A_90 = arith.constant 0 : i32
    %dma_start3A_91 = arith.constant 0 : i32
    %dma_start3A_92 = tpu.memref_slice %arg2[%dma_start3A_90, %dma_start3A_91] : memref<16384x128xf32, #tpu.memory_space<hbm>> -> memref<16384x128xf32, #tpu.memory_space<hbm>>
    tpu.enqueue_indirect_dma source(%dma_start3A_92 : memref<16384x128xf32, #tpu.memory_space<hbm>>) target(%dma_start3A_86 : memref<128x128xf32, #tpu.memory_space<vmem>>) offsets(%dma_start3A_89 : memref<128xi32, #tpu.memory_space<vmem>>) semaphore(%arg7 : memref<!tpu.dma_semaphore, #tpu.memory_space<semaphore_mem>>)
    %dma_start3A_93 = arith.constant 5 : i32
    %dma_start3A_94 = arith.constant 128 : i32
    %dma_start3A_95 = arith.constant 0 : i32
    %dma_start3A_96 = tpu.memref_slice %arg6[%dma_start3A_94, %dma_start3A_95] : memref<512x128xf32, #tpu.memory_space<vmem>> -> memref<128x128xf32, #tpu.memory_space<vmem>>
    %dma_start3A_97 = arith.constant 0 : i32
    %dma_start3A_98 = tpu.memref_slice %arg5[%dma_start3A_93, %dma_start3A_97] : memref<8x128xi32, #tpu.memory_space<vmem>> -> memref<1x128xi32, #tpu.memory_space<vmem>>
    %dma_start3A_99 = tpu.memref_squeeze %dma_start3A_98 : memref<1x128xi32, #tpu.memory_space<vmem>> -> memref<128xi32, #tpu.memory_space<vmem>>
    %dma_start3A_100 = arith.constant 0 : i32
    %dma_start3A_101 = arith.constant 0 : i32
    %dma_start3A_102 = tpu.memref_slice %arg2[%dma_start3A_100, %dma_start3A_101] : memref<16384x128xf32, #tpu.memory_space<hbm>> -> memref<16384x128xf32, #tpu.memory_space<hbm>>
    tpu.enqueue_indirect_dma source(%dma_start3A_102 : memref<16384x128xf32, #tpu.memory_space<hbm>>) target(%dma_start3A_96 : memref<128x128xf32, #tpu.memory_space<vmem>>) offsets(%dma_start3A_99 : memref<128xi32, #tpu.memory_space<vmem>>) semaphore(%arg7 : memref<!tpu.dma_semaphore, #tpu.memory_space<semaphore_mem>>)
    %dma_start3A_103 = arith.constant 6 : i32
    %dma_start3A_104 = arith.constant 256 : i32
    %dma_start3A_105 = arith.constant 0 : i32
    %dma_start3A_106 = tpu.memref_slice %arg6[%dma_start3A_104, %dma_start3A_105] : memref<512x128xf32, #tpu.memory_space<vmem>> -> memref<128x128xf32, #tpu.memory_space<vmem>>
    %dma_start3A_107 = arith.constant 0 : i32
    %dma_start3A_108 = tpu.memref_slice %arg5[%dma_start3A_103, %dma_start3A_107] : memref<8x128xi32, #tpu.memory_space<vmem>> -> memref<1x128xi32, #tpu.memory_space<vmem>>
    %dma_start3A_109 = tpu.memref_squeeze %dma_start3A_108 : memref<1x128xi32, #tpu.memory_space<vmem>> -> memref<128xi32, #tpu.memory_space<vmem>>
    %dma_start3A_110 = arith.constant 0 : i32
    %dma_start3A_111 = arith.constant 0 : i32
    %dma_start3A_112 = tpu.memref_slice %arg2[%dma_start3A_110, %dma_start3A_111] : memref<16384x128xf32, #tpu.memory_space<hbm>> -> memref<16384x128xf32, #tpu.memory_space<hbm>>
    tpu.enqueue_indirect_dma source(%dma_start3A_112 : memref<16384x128xf32, #tpu.memory_space<hbm>>) target(%dma_start3A_106 : memref<128x128xf32, #tpu.memory_space<vmem>>) offsets(%dma_start3A_109 : memref<128xi32, #tpu.memory_space<vmem>>) semaphore(%arg7 : memref<!tpu.dma_semaphore, #tpu.memory_space<semaphore_mem>>)
    %dma_start3A_113 = arith.constant 7 : i32
    %dma_start3A_114 = arith.constant 384 : i32
    %dma_start3A_115 = arith.constant 0 : i32
    %dma_start3A_116 = tpu.memref_slice %arg6[%dma_start3A_114, %dma_start3A_115] : memref<512x128xf32, #tpu.memory_space<vmem>> -> memref<128x128xf32, #tpu.memory_space<vmem>>
    %dma_start3A_117 = arith.constant 0 : i32
    %dma_start3A_118 = tpu.memref_slice %arg5[%dma_start3A_113, %dma_start3A_117] : memref<8x128xi32, #tpu.memory_space<vmem>> -> memref<1x128xi32, #tpu.memory_space<vmem>>
    %dma_start3A_119 = tpu.memref_squeeze %dma_start3A_118 : memref<1x128xi32, #tpu.memory_space<vmem>> -> memref<128xi32, #tpu.memory_space<vmem>>
    %dma_start3A_120 = arith.constant 0 : i32
    %dma_start3A_121 = arith.constant 0 : i32
    %dma_start3A_122 = tpu.memref_slice %arg2[%dma_start3A_120, %dma_start3A_121] : memref<16384x128xf32, #tpu.memory_space<hbm>> -> memref<16384x128xf32, #tpu.memory_space<hbm>>
    tpu.enqueue_indirect_dma source(%dma_start3A_122 : memref<16384x128xf32, #tpu.memory_space<hbm>>) target(%dma_start3A_116 : memref<128x128xf32, #tpu.memory_space<vmem>>) offsets(%dma_start3A_119 : memref<128xi32, #tpu.memory_space<vmem>>) semaphore(%arg7 : memref<!tpu.dma_semaphore, #tpu.memory_space<semaphore_mem>>)
    %dma_wait3A_123 = arith.constant 4 : i32
    %dma_wait3A_124 = arith.constant 0 : i32
    %dma_wait3A_125 = arith.constant 0 : i32
    %dma_wait3A_126 = tpu.memref_slice %arg6[%dma_wait3A_124, %dma_wait3A_125] : memref<512x128xf32, #tpu.memory_space<vmem>> -> memref<128x128xf32, #tpu.memory_space<vmem>>
    %dma_wait3A_127 = arith.constant 0 : i32
    %dma_wait3A_128 = tpu.memref_slice %arg5[%dma_wait3A_123, %dma_wait3A_127] : memref<8x128xi32, #tpu.memory_space<vmem>> -> memref<1x128xi32, #tpu.memory_space<vmem>>
    %dma_wait3A_129 = tpu.memref_squeeze %dma_wait3A_128 : memref<1x128xi32, #tpu.memory_space<vmem>> -> memref<128xi32, #tpu.memory_space<vmem>>
    %dma_wait3A_130 = arith.constant 0 : i32
    %dma_wait3A_131 = arith.constant 0 : i32
    %dma_wait3A_132 = tpu.memref_slice %arg2[%dma_wait3A_130, %dma_wait3A_131] : memref<16384x128xf32, #tpu.memory_space<hbm>> -> memref<16384x128xf32, #tpu.memory_space<hbm>>
    tpu.wait_indirect_dma semaphore(%arg7 : memref<!tpu.dma_semaphore, #tpu.memory_space<semaphore_mem>>) src(%dma_wait3A_132 : memref<16384x128xf32, #tpu.memory_space<hbm>>) dst(%dma_wait3A_126 : memref<128x128xf32, #tpu.memory_space<vmem>>)
    %dma_wait3A_133 = arith.constant 5 : i32
    %dma_wait3A_134 = arith.constant 128 : i32
    %dma_wait3A_135 = arith.constant 0 : i32
    %dma_wait3A_136 = tpu.memref_slice %arg6[%dma_wait3A_134, %dma_wait3A_135] : memref<512x128xf32, #tpu.memory_space<vmem>> -> memref<128x128xf32, #tpu.memory_space<vmem>>
    %dma_wait3A_137 = arith.constant 0 : i32
    %dma_wait3A_138 = tpu.memref_slice %arg5[%dma_wait3A_133, %dma_wait3A_137] : memref<8x128xi32, #tpu.memory_space<vmem>> -> memref<1x128xi32, #tpu.memory_space<vmem>>
    %dma_wait3A_139 = tpu.memref_squeeze %dma_wait3A_138 : memref<1x128xi32, #tpu.memory_space<vmem>> -> memref<128xi32, #tpu.memory_space<vmem>>
    %dma_wait3A_140 = arith.constant 0 : i32
    %dma_wait3A_141 = arith.constant 0 : i32
    %dma_wait3A_142 = tpu.memref_slice %arg2[%dma_wait3A_140, %dma_wait3A_141] : memref<16384x128xf32, #tpu.memory_space<hbm>> -> memref<16384x128xf32, #tpu.memory_space<hbm>>
    tpu.wait_indirect_dma semaphore(%arg7 : memref<!tpu.dma_semaphore, #tpu.memory_space<semaphore_mem>>) src(%dma_wait3A_142 : memref<16384x128xf32, #tpu.memory_space<hbm>>) dst(%dma_wait3A_136 : memref<128x128xf32, #tpu.memory_space<vmem>>)
    %dma_wait3A_143 = arith.constant 6 : i32
    %dma_wait3A_144 = arith.constant 256 : i32
    %dma_wait3A_145 = arith.constant 0 : i32
    %dma_wait3A_146 = tpu.memref_slice %arg6[%dma_wait3A_144, %dma_wait3A_145] : memref<512x128xf32, #tpu.memory_space<vmem>> -> memref<128x128xf32, #tpu.memory_space<vmem>>
    %dma_wait3A_147 = arith.constant 0 : i32
    %dma_wait3A_148 = tpu.memref_slice %arg5[%dma_wait3A_143, %dma_wait3A_147] : memref<8x128xi32, #tpu.memory_space<vmem>> -> memref<1x128xi32, #tpu.memory_space<vmem>>
    %dma_wait3A_149 = tpu.memref_squeeze %dma_wait3A_148 : memref<1x128xi32, #tpu.memory_space<vmem>> -> memref<128xi32, #tpu.memory_space<vmem>>
    %dma_wait3A_150 = arith.constant 0 : i32
    %dma_wait3A_151 = arith.constant 0 : i32
    %dma_wait3A_152 = tpu.memref_slice %arg2[%dma_wait3A_150, %dma_wait3A_151] : memref<16384x128xf32, #tpu.memory_space<hbm>> -> memref<16384x128xf32, #tpu.memory_space<hbm>>
    tpu.wait_indirect_dma semaphore(%arg7 : memref<!tpu.dma_semaphore, #tpu.memory_space<semaphore_mem>>) src(%dma_wait3A_152 : memref<16384x128xf32, #tpu.memory_space<hbm>>) dst(%dma_wait3A_146 : memref<128x128xf32, #tpu.memory_space<vmem>>)
    %dma_wait3A_153 = arith.constant 7 : i32
    %dma_wait3A_154 = arith.constant 384 : i32
    %dma_wait3A_155 = arith.constant 0 : i32
    %dma_wait3A_156 = tpu.memref_slice %arg6[%dma_wait3A_154, %dma_wait3A_155] : memref<512x128xf32, #tpu.memory_space<vmem>> -> memref<128x128xf32, #tpu.memory_space<vmem>>
    %dma_wait3A_157 = arith.constant 0 : i32
    %dma_wait3A_158 = tpu.memref_slice %arg5[%dma_wait3A_153, %dma_wait3A_157] : memref<8x128xi32, #tpu.memory_space<vmem>> -> memref<1x128xi32, #tpu.memory_space<vmem>>
    %dma_wait3A_159 = tpu.memref_squeeze %dma_wait3A_158 : memref<1x128xi32, #tpu.memory_space<vmem>> -> memref<128xi32, #tpu.memory_space<vmem>>
    %dma_wait3A_160 = arith.constant 0 : i32
    %dma_wait3A_161 = arith.constant 0 : i32
    %dma_wait3A_162 = tpu.memref_slice %arg2[%dma_wait3A_160, %dma_wait3A_161] : memref<16384x128xf32, #tpu.memory_space<hbm>> -> memref<16384x128xf32, #tpu.memory_space<hbm>>
    tpu.wait_indirect_dma semaphore(%arg7 : memref<!tpu.dma_semaphore, #tpu.memory_space<semaphore_mem>>) src(%dma_wait3A_162 : memref<16384x128xf32, #tpu.memory_space<hbm>>) dst(%dma_wait3A_156 : memref<128x128xf32, #tpu.memory_space<vmem>>)
    %mul3A_163 = arith.constant 1024 : i32
    %mul3A_164 = arith.muli %add3A, %mul3A_163 : i32
    %add3A_165 = arith.constant 512 : i32
    %add3A_166 = arith.addi %mul3A_164, %add3A_165 : i32
    "tpu.region"() ({
      %run_scoped3A = tpu.sem_alloc : memref<!tpu.dma_semaphore, #tpu.memory_space<semaphore_mem>>
      %dma_start3A_167 = arith.constant 0 : i32
      %dma_start3A_168 = tpu.memref_slice %arg4[%add3A_166, %dma_start3A_167] : memref<32768x128xf32, #tpu.memory_space<hbm>> -> memref<512x128xf32, #tpu.memory_space<hbm>>
      %dma_start3A_169 = arith.constant 0 : i32
      %dma_start3A_170 = tpu.memref_slice %arg4[%add3A_166, %dma_start3A_169] : memref<32768x128xf32, #tpu.memory_space<hbm>> -> memref<512x128xf32, #tpu.memory_space<hbm>>
      tpu.enqueue_dma source(%arg6 : memref<512x128xf32, #tpu.memory_space<vmem>>) target(%dma_start3A_170 : memref<512x128xf32, #tpu.memory_space<hbm>>) target_semaphore(%run_scoped3A : memref<!tpu.dma_semaphore, #tpu.memory_space<semaphore_mem>>)
      %dma_wait3A_171 = arith.constant 0 : i32
      %dma_wait3A_172 = tpu.memref_slice %arg4[%add3A_166, %dma_wait3A_171] : memref<32768x128xf32, #tpu.memory_space<hbm>> -> memref<512x128xf32, #tpu.memory_space<hbm>>
      %dma_wait3A_173 = arith.constant 0 : i32
      %dma_wait3A_174 = tpu.memref_slice %arg4[%add3A_166, %dma_wait3A_173] : memref<32768x128xf32, #tpu.memory_space<hbm>> -> memref<512x128xf32, #tpu.memory_space<hbm>>
      tpu.wait_dma2 semaphore(%run_scoped3A : memref<!tpu.dma_semaphore, #tpu.memory_space<semaphore_mem>>) src(%arg6 : memref<512x128xf32, #tpu.memory_space<vmem>>) dst(%dma_wait3A_174 : memref<512x128xf32, #tpu.memory_space<hbm>>)
      tpu.yield
    }) : () -> ()
    return
  }
}

module attributes {stable_mosaic.version = 14 : i64} {
  func.func @_fps_body(%arg0: memref<48x1024xf32, #tpu.memory_space<vmem>>, %arg1: memref<16384x3xf32, #tpu.memory_space<vmem>>, %arg2: memref<1x128xi32, #tpu.memory_space<vmem>>, %arg3: memref<1024x8xf32, #tpu.memory_space<vmem>>) attributes {dimension_semantics = [], scalar_prefetch = 0 : i64, scratch_operands = 0 : i64, tpu.core_type = #tpu.core_type<tc>} {
    %iota3A = tpu.iota {dimensions = array<i32: 0>} : vector<16x1024xi32>
    %jit3A = arith.constant 8 : i32
    %eq3A = arith.constant 0 : i32
    %eq3A_0 = arith.cmpi eq, %jit3A, %eq3A : i32
    %jit3A_1 = arith.constant 1 : i32
    %select_n3A = arith.select %eq3A_0, %jit3A_1, %jit3A : i32
    %rem3A = vector.broadcast %select_n3A : i32 to vector<16x1024xi32>
    %rem3A_2 = arith.remsi %iota3A, %rem3A : vector<16x1024xi32>
    %ne3A = arith.constant 0 : i32
    %ne3A_3 = vector.broadcast %ne3A : i32 to vector<16x1024xi32>
    %ne3A_4 = arith.cmpi ne, %rem3A_2, %ne3A_3 : vector<16x1024xi32>
    %lt3A = arith.constant 0 : i32
    %lt3A_5 = vector.broadcast %lt3A : i32 to vector<16x1024xi32>
    %lt3A_6 = arith.cmpi slt, %rem3A_2, %lt3A_5 : vector<16x1024xi32>
    %lt3A_7 = arith.constant 0 : i32
    %lt3A_8 = arith.cmpi slt, %select_n3A, %lt3A_7 : i32
    %ne3A_9 = vector.broadcast %lt3A_8 : i1 to vector<16x1024xi1>
    %ne3A_10 = vector.broadcast %ne3A_9 : vector<16x1024xi1> to vector<16x1024xi1>
    %ne3A_11 = arith.xori %lt3A_6, %ne3A_10 : vector<16x1024xi1>
    %and3A = arith.andi %ne3A_11, %ne3A_4 : vector<16x1024xi1>
    %add3A = vector.broadcast %select_n3A : i32 to vector<16x1024xi32>
    %add3A_12 = arith.addi %rem3A_2, %add3A : vector<16x1024xi32>
    %select_n3A_13 = arith.select %and3A, %add3A_12, %rem3A_2 : vector<16x1024xi1>, vector<16x1024xi32>
    %iota3A_14 = tpu.iota {dimensions = array<i32: 1>} : vector<16x1024xi32>
    %mul3A = arith.constant 1024 : i32
    %mul3A_15 = vector.broadcast %mul3A : i32 to vector<16x1024xi32>
    %mul3A_16 = arith.muli %select_n3A_13, %mul3A_15 : vector<16x1024xi32>
    %add3A_17 = arith.addi %mul3A_16, %iota3A_14 : vector<16x1024xi32>
    %broadcast_in_dim3A = arith.constant 0.000000e+00 : f32
    %broadcast_in_dim3A_18 = vector.broadcast %broadcast_in_dim3A : f32 to vector<1x2xf32>
    %get3A = arith.constant 0 : index
    %get3A_19 = arith.constant 0 : index
    %get3A_20 = vector.load %arg2[%get3A, %get3A_19] : memref<1x128xi32, #tpu.memory_space<vmem>>, vector<1x1xi32>
    %get3A_21 = vector.extract %get3A_20[0, 0] : i32 from vector<1x1xi32>
    %broadcast_in_dim3A_22 = arith.constant 1.000000e+10 : f32
    %broadcast_in_dim3A_23 = vector.broadcast %broadcast_in_dim3A_22 : f32 to vector<16x1024xf32>
    %scan3A = arith.constant 16384 : i32
    %scan3A_24 = arith.constant 0 : i32
    %scan3A_25 = arith.constant 0 : i32
    %scan3A_26 = arith.constant 0 : i32
    %scan3A_27 = arith.constant 1024 : i32
    %scan3A_28 = arith.addi %scan3A_26, %scan3A_27 : i32
    %scan3A_29 = arith.constant 1 : i32
    %scan3A_30:3 = scf.for %scan3A_32 = %scan3A_26 to %scan3A_28 step %scan3A_29 iter_args(%scan3A_33 = %broadcast_in_dim3A_23, %scan3A_34 = %scan3A_24, %scan3A_35 = %scan3A_25) -> (vector<16x1024xf32>, i32, i32)  : i32 {
      %get3A_36 = arith.index_cast %scan3A_34 : i32 to index
      %get3A_37 = arith.constant 0 : index
      %get3A_38 = vector.load %arg1[%get3A_36, %get3A_37] : memref<16384x3xf32, #tpu.memory_space<vmem>>, vector<1x3xf32>
      %add3A_39 = arith.constant 8192 : i32
      %add3A_40 = arith.addi %scan3A_35, %add3A_39 : i32
      %get3A_41 = arith.index_cast %add3A_40 : i32 to index
      %get3A_42 = arith.constant 0 : index
      %get3A_43 = vector.load %arg1[%get3A_41, %get3A_42] : memref<16384x3xf32, #tpu.memory_space<vmem>>, vector<1x3xf32>
      %slice3A = vector.extract_strided_slice %get3A_38 {offsets = [0, 0], sizes = [1, 1], strides = [1, 1]} : vector<1x3xf32> to vector<1x1xf32>
      %slice3A_44 = vector.extract_strided_slice %get3A_43 {offsets = [0, 0], sizes = [1, 1], strides = [1, 1]} : vector<1x3xf32> to vector<1x1xf32>
      %slice3A_45 = vector.extract_strided_slice %get3A_38 {offsets = [0, 1], sizes = [1, 1], strides = [1, 1]} : vector<1x3xf32> to vector<1x1xf32>
      %slice3A_46 = vector.extract_strided_slice %get3A_43 {offsets = [0, 1], sizes = [1, 1], strides = [1, 1]} : vector<1x3xf32> to vector<1x1xf32>
      %slice3A_47 = vector.extract_strided_slice %get3A_38 {offsets = [0, 2], sizes = [1, 1], strides = [1, 1]} : vector<1x3xf32> to vector<1x1xf32>
      %slice3A_48 = vector.extract_strided_slice %get3A_43 {offsets = [0, 2], sizes = [1, 1], strides = [1, 1]} : vector<1x3xf32> to vector<1x1xf32>
      %concatenate3A = tpu.concatenate %slice3A, %slice3A_44, %slice3A_45, %slice3A_46, %slice3A_47, %slice3A_48 in 0 : vector<1x1xf32>, vector<1x1xf32>, vector<1x1xf32>, vector<1x1xf32>, vector<1x1xf32>, vector<1x1xf32> -> vector<6x1xf32>
      %slice3A_49 = vector.extract_strided_slice %get3A_38 {offsets = [0, 0], sizes = [1, 1], strides = [1, 1]} : vector<1x3xf32> to vector<1x1xf32>
      %slice3A_50 = vector.extract_strided_slice %get3A_43 {offsets = [0, 0], sizes = [1, 1], strides = [1, 1]} : vector<1x3xf32> to vector<1x1xf32>
      %slice3A_51 = vector.extract_strided_slice %get3A_38 {offsets = [0, 1], sizes = [1, 1], strides = [1, 1]} : vector<1x3xf32> to vector<1x1xf32>
      %slice3A_52 = vector.extract_strided_slice %get3A_43 {offsets = [0, 1], sizes = [1, 1], strides = [1, 1]} : vector<1x3xf32> to vector<1x1xf32>
      %slice3A_53 = vector.extract_strided_slice %get3A_38 {offsets = [0, 2], sizes = [1, 1], strides = [1, 1]} : vector<1x3xf32> to vector<1x1xf32>
      %slice3A_54 = vector.extract_strided_slice %get3A_43 {offsets = [0, 2], sizes = [1, 1], strides = [1, 1]} : vector<1x3xf32> to vector<1x1xf32>
      %concatenate3A_55 = tpu.concatenate %slice3A_49, %slice3A_50, %slice3A_51, %slice3A_52, %slice3A_53, %slice3A_54, %broadcast_in_dim3A_18 in 1 : vector<1x1xf32>, vector<1x1xf32>, vector<1x1xf32>, vector<1x1xf32>, vector<1x1xf32>, vector<1x1xf32>, vector<1x2xf32> -> vector<1x8xf32>
      %swap3A = arith.index_cast %scan3A_32 : i32 to index
      %swap3A_56 = arith.constant 0 : index
      %swap3A_57 = vector.load %arg3[%swap3A, %swap3A_56] : memref<1024x8xf32, #tpu.memory_space<vmem>>, vector<1x8xf32>
      tpu.vector_store %arg3[%swap3A, %swap3A_56], %concatenate3A_55 {strides = array<i32>} : memref<1024x8xf32, #tpu.memory_space<vmem>>, vector<1x8xf32>,
      %broadcast_in_dim3A_58 = vector.shape_cast %concatenate3A : vector<6x1xf32> to vector<6x1x1xf32>
      %broadcast_in_dim3A_59 = vector.broadcast %broadcast_in_dim3A_58 : vector<6x1x1xf32> to vector<6x8x1xf32>
      %reshape3A = vector.shape_cast %broadcast_in_dim3A_59 : vector<6x8x1xf32> to vector<48x1xf32>
      %get3A_60 = arith.constant 0 : index
      %get3A_61 = arith.constant 0 : index
      %get3A_62 = vector.load %arg0[%get3A_60, %get3A_61] : memref<48x1024xf32, #tpu.memory_space<vmem>>, vector<48x1024xf32>
      %sub3A = vector.broadcast %reshape3A : vector<48x1xf32> to vector<48x1024xf32>
      %sub3A_63 = arith.subf %get3A_62, %sub3A : vector<48x1024xf32>
      %slice3A_64 = vector.extract_strided_slice %sub3A_63 {offsets = [32, 0], sizes = [16, 1024], strides = [1, 1]} : vector<48x1024xf32> to vector<16x1024xf32>
      %slice3A_65 = vector.extract_strided_slice %sub3A_63 {offsets = [0, 0], sizes = [16, 1024], strides = [1, 1]} : vector<48x1024xf32> to vector<16x1024xf32>
      %slice3A_66 = vector.extract_strided_slice %sub3A_63 {offsets = [16, 0], sizes = [16, 1024], strides = [1, 1]} : vector<48x1024xf32> to vector<16x1024xf32>
      %mul3A_67 = arith.mulf %slice3A_64, %slice3A_64 : vector<16x1024xf32>
      %bitcast_convert_type3A = tpu.bitcast %slice3A_66 : vector<16x1024xf32> -> vector<16x1024xi32>
      %and3A_68 = arith.constant -4096 : i32
      %and3A_69 = vector.broadcast %and3A_68 : i32 to vector<16x1024xi32>
      %and3A_70 = arith.andi %bitcast_convert_type3A, %and3A_69 : vector<16x1024xi32>
      %bitcast_convert_type3A_71 = tpu.bitcast %and3A_70 : vector<16x1024xi32> -> vector<16x1024xf32>
      %sub3A_72 = arith.subf %slice3A_66, %bitcast_convert_type3A_71 : vector<16x1024xf32>
      %mul3A_73 = arith.mulf %slice3A_66, %slice3A_66 : vector<16x1024xf32>
      %mul3A_74 = arith.mulf %bitcast_convert_type3A_71, %bitcast_convert_type3A_71 : vector<16x1024xf32>
      %sub3A_75 = arith.subf %mul3A_74, %mul3A_73 : vector<16x1024xf32>
      %mul3A_76 = arith.mulf %bitcast_convert_type3A_71, %sub3A_72 : vector<16x1024xf32>
      %mul3A_77 = arith.mulf %bitcast_convert_type3A_71, %sub3A_72 : vector<16x1024xf32>
      %add3A_78 = arith.addf %mul3A_76, %mul3A_77 : vector<16x1024xf32>
      %add3A_79 = arith.addf %sub3A_75, %add3A_78 : vector<16x1024xf32>
      %mul3A_80 = arith.mulf %sub3A_72, %sub3A_72 : vector<16x1024xf32>
      %add3A_81 = arith.addf %add3A_79, %mul3A_80 : vector<16x1024xf32>
      %add3A_82 = arith.addf %mul3A_73, %mul3A_67 : vector<16x1024xf32>
      %bitcast_convert_type3A_83 = tpu.bitcast %add3A_82 : vector<16x1024xf32> -> vector<16x1024xi32>
      %add3A_84 = vector.broadcast %get3A_21 : i32 to vector<16x1024xi32>
      %add3A_85 = arith.addi %bitcast_convert_type3A_83, %add3A_84 : vector<16x1024xi32>
      %bitcast_convert_type3A_86 = tpu.bitcast %add3A_85 : vector<16x1024xi32> -> vector<16x1024xf32>
      %sub3A_87 = arith.subf %bitcast_convert_type3A_86, %mul3A_73 : vector<16x1024xf32>
      %bitcast_convert_type3A_88 = tpu.bitcast %sub3A_87 : vector<16x1024xf32> -> vector<16x1024xi32>
      %add3A_89 = vector.broadcast %get3A_21 : i32 to vector<16x1024xi32>
      %add3A_90 = arith.addi %bitcast_convert_type3A_88, %add3A_89 : vector<16x1024xi32>
      %bitcast_convert_type3A_91 = tpu.bitcast %add3A_90 : vector<16x1024xi32> -> vector<16x1024xf32>
      %sub3A_92 = arith.subf %bitcast_convert_type3A_86, %bitcast_convert_type3A_91 : vector<16x1024xf32>
      %sub3A_93 = arith.subf %mul3A_73, %sub3A_92 : vector<16x1024xf32>
      %sub3A_94 = arith.subf %mul3A_67, %bitcast_convert_type3A_91 : vector<16x1024xf32>
      %add3A_95 = arith.addf %sub3A_93, %sub3A_94 : vector<16x1024xf32>
      %add3A_96 = arith.addf %add3A_81, %add3A_95 : vector<16x1024xf32>
      %add3A_97 = arith.addf %bitcast_convert_type3A_86, %add3A_96 : vector<16x1024xf32>
      %bitcast_convert_type3A_98 = tpu.bitcast %slice3A_65 : vector<16x1024xf32> -> vector<16x1024xi32>
      %and3A_99 = arith.constant -4096 : i32
      %and3A_100 = vector.broadcast %and3A_99 : i32 to vector<16x1024xi32>
      %and3A_101 = arith.andi %bitcast_convert_type3A_98, %and3A_100 : vector<16x1024xi32>
      %bitcast_convert_type3A_102 = tpu.bitcast %and3A_101 : vector<16x1024xi32> -> vector<16x1024xf32>
      %sub3A_103 = arith.subf %slice3A_65, %bitcast_convert_type3A_102 : vector<16x1024xf32>
      %mul3A_104 = arith.mulf %slice3A_65, %slice3A_65 : vector<16x1024xf32>
      %mul3A_105 = arith.mulf %bitcast_convert_type3A_102, %bitcast_convert_type3A_102 : vector<16x1024xf32>
      %sub3A_106 = arith.subf %mul3A_105, %mul3A_104 : vector<16x1024xf32>
      %mul3A_107 = arith.mulf %bitcast_convert_type3A_102, %sub3A_103 : vector<16x1024xf32>
      %mul3A_108 = arith.mulf %bitcast_convert_type3A_102, %sub3A_103 : vector<16x1024xf32>
      %add3A_109 = arith.addf %mul3A_107, %mul3A_108 : vector<16x1024xf32>
      %add3A_110 = arith.addf %sub3A_106, %add3A_109 : vector<16x1024xf32>
      %mul3A_111 = arith.mulf %sub3A_103, %sub3A_103 : vector<16x1024xf32>
      %add3A_112 = arith.addf %add3A_110, %mul3A_111 : vector<16x1024xf32>
      %add3A_113 = arith.addf %mul3A_104, %add3A_97 : vector<16x1024xf32>
      %bitcast_convert_type3A_114 = tpu.bitcast %add3A_113 : vector<16x1024xf32> -> vector<16x1024xi32>
      %add3A_115 = vector.broadcast %get3A_21 : i32 to vector<16x1024xi32>
      %add3A_116 = arith.addi %bitcast_convert_type3A_114, %add3A_115 : vector<16x1024xi32>
      %bitcast_convert_type3A_117 = tpu.bitcast %add3A_116 : vector<16x1024xi32> -> vector<16x1024xf32>
      %sub3A_118 = arith.subf %bitcast_convert_type3A_117, %mul3A_104 : vector<16x1024xf32>
      %bitcast_convert_type3A_119 = tpu.bitcast %sub3A_118 : vector<16x1024xf32> -> vector<16x1024xi32>
      %add3A_120 = vector.broadcast %get3A_21 : i32 to vector<16x1024xi32>
      %add3A_121 = arith.addi %bitcast_convert_type3A_119, %add3A_120 : vector<16x1024xi32>
      %bitcast_convert_type3A_122 = tpu.bitcast %add3A_121 : vector<16x1024xi32> -> vector<16x1024xf32>
      %sub3A_123 = arith.subf %bitcast_convert_type3A_117, %bitcast_convert_type3A_122 : vector<16x1024xf32>
      %sub3A_124 = arith.subf %mul3A_104, %sub3A_123 : vector<16x1024xf32>
      %sub3A_125 = arith.subf %add3A_97, %bitcast_convert_type3A_122 : vector<16x1024xf32>
      %add3A_126 = arith.addf %sub3A_124, %sub3A_125 : vector<16x1024xf32>
      %add3A_127 = arith.addf %add3A_112, %add3A_126 : vector<16x1024xf32>
      %add3A_128 = arith.addf %bitcast_convert_type3A_117, %add3A_127 : vector<16x1024xf32>
      %min3A = arith.minimumf %scan3A_33, %add3A_128 : vector<16x1024xf32>
      %reduce_max3A = arith.constant dense<0xFF800000> : vector<16xf32>
      %reduce_max3A_129 = vector.multi_reduction <maximumf>, %min3A, %reduce_max3A [1] : vector<16x1024xf32> to vector<16xf32>
      %broadcast_in_dim3A_130 = vector.shape_cast %reduce_max3A_129 : vector<16xf32> to vector<16x1xf32>
      %slice3A_131 = vector.extract_strided_slice %broadcast_in_dim3A_130 {offsets = [0, 0], sizes = [8, 1], strides = [1, 1]} : vector<16x1xf32> to vector<8x1xf32>
      %reduce_max3A_132 = vector.shape_cast %slice3A_131 : vector<8x1xf32> to vector<1x8x1xf32>
      %reduce_max3A_133 = arith.constant dense<0xFF800000> : vector<1xf32>
      %reduce_max3A_134 = vector.multi_reduction <maximumf>, %reduce_max3A_132, %reduce_max3A_133 [1, 2] : vector<1x8x1xf32> to vector<1xf32>
      %reduce_max3A_135 = vector.shape_cast %reduce_max3A_134 : vector<1xf32> to vector<1x1x1xf32>
      %reduce_max3A_136 = vector.extract %reduce_max3A_135[0, 0, 0] : f32 from vector<1x1x1xf32>
      %slice3A_137 = vector.extract_strided_slice %broadcast_in_dim3A_130 {offsets = [8, 0], sizes = [8, 1], strides = [1, 1]} : vector<16x1xf32> to vector<8x1xf32>
      %reduce_max3A_138 = vector.shape_cast %slice3A_137 : vector<8x1xf32> to vector<1x8x1xf32>
      %reduce_max3A_139 = arith.constant dense<0xFF800000> : vector<1xf32>
      %reduce_max3A_140 = vector.multi_reduction <maximumf>, %reduce_max3A_138, %reduce_max3A_139 [1, 2] : vector<1x8x1xf32> to vector<1xf32>
      %reduce_max3A_141 = vector.shape_cast %reduce_max3A_140 : vector<1xf32> to vector<1x1x1xf32>
      %reduce_max3A_142 = vector.extract %reduce_max3A_141[0, 0, 0] : f32 from vector<1x1x1xf32>
      %broadcast_in_dim3A_143 = vector.broadcast %reduce_max3A_136 : f32 to vector<8x1xf32>
      %broadcast_in_dim3A_144 = vector.broadcast %reduce_max3A_142 : f32 to vector<8x1xf32>
      %concatenate3A_145 = tpu.concatenate %broadcast_in_dim3A_143, %broadcast_in_dim3A_144 in 0 : vector<8x1xf32>, vector<8x1xf32> -> vector<16x1xf32>
      %eq3A_146 = vector.broadcast %concatenate3A_145 : vector<16x1xf32> to vector<16x1024xf32>
      %eq3A_147 = arith.cmpf oeq, %min3A, %eq3A_146 : vector<16x1024xf32>
      %broadcast_in_dim3A_148 = vector.broadcast %scan3A : i32 to vector<16x1024xi32>
      %select_n3A_149 = arith.select %eq3A_147, %add3A_17, %broadcast_in_dim3A_148 : vector<16x1024xi1>, vector<16x1024xi32>
      %reduce_min3A = arith.constant dense<2147483647> : vector<16xi32>
      %reduce_min3A_150 = vector.multi_reduction <minsi>, %select_n3A_149, %reduce_min3A [1] : vector<16x1024xi32> to vector<16xi32>
      %broadcast_in_dim3A_151 = vector.shape_cast %reduce_min3A_150 : vector<16xi32> to vector<16x1xi32>
      %slice3A_152 = vector.extract_strided_slice %broadcast_in_dim3A_151 {offsets = [0, 0], sizes = [8, 1], strides = [1, 1]} : vector<16x1xi32> to vector<8x1xi32>
      %reduce_min3A_153 = vector.shape_cast %slice3A_152 : vector<8x1xi32> to vector<1x8x1xi32>
      %reduce_min3A_154 = arith.constant dense<2147483647> : vector<1xi32>
      %reduce_min3A_155 = vector.multi_reduction <minsi>, %reduce_min3A_153, %reduce_min3A_154 [1, 2] : vector<1x8x1xi32> to vector<1xi32>
      %reduce_min3A_156 = vector.shape_cast %reduce_min3A_155 : vector<1xi32> to vector<1x1x1xi32>
      %reduce_min3A_157 = vector.extract %reduce_min3A_156[0, 0, 0] : i32 from vector<1x1x1xi32>
      %slice3A_158 = vector.extract_strided_slice %broadcast_in_dim3A_151 {offsets = [8, 0], sizes = [8, 1], strides = [1, 1]} : vector<16x1xi32> to vector<8x1xi32>
      %reduce_min3A_159 = vector.shape_cast %slice3A_158 : vector<8x1xi32> to vector<1x8x1xi32>
      %reduce_min3A_160 = arith.constant dense<2147483647> : vector<1xi32>
      %reduce_min3A_161 = vector.multi_reduction <minsi>, %reduce_min3A_159, %reduce_min3A_160 [1, 2] : vector<1x8x1xi32> to vector<1xi32>
      %reduce_min3A_162 = vector.shape_cast %reduce_min3A_161 : vector<1xi32> to vector<1x1x1xi32>
      %reduce_min3A_163 = vector.extract %reduce_min3A_162[0, 0, 0] : i32 from vector<1x1x1xi32>
      scf.yield %min3A, %reduce_min3A_157, %reduce_min3A_163 : vector<16x1024xf32>, i32, i32
    }
    %scan3A_31 = arith.constant 1024 : i32
    return
  }
}

module attributes {stable_mosaic.version = 14 : i64} {
  func.func @_knn_body(%arg0: i32, %arg1: i32, %arg2: memref<1x256x3xf32, #tpu.memory_space<vmem>>, %arg3: memref<1x3x8192xf32, #tpu.memory_space<vmem>>, %arg4: memref<1x128xi32, #tpu.memory_space<vmem>>, %arg5: memref<1x256x16xi32, #tpu.memory_space<vmem>>) attributes {dimension_semantics = [#tpu.dimension_semantics<arbitrary>, #tpu.dimension_semantics<arbitrary>], iteration_bounds = array<i64: 2, 4>, scalar_prefetch = 0 : i64, scratch_operands = 0 : i64, tpu.core_type = #tpu.core_type<tc>, window_params = [{transform_indices = @transform_0, window_bounds = array<i64: 1, 256, 3>}, {transform_indices = @transform_1, window_bounds = array<i64: 1, 3, 8192>}, {pipeline_mode = #tpu.pipeline_mode<synchronous>, transform_indices = @transform_2, window_bounds = array<i64: 1, 128>}, {transform_indices = @transform_3, window_bounds = array<i64: 1, 256, 16>}]} {
    %get3A = arith.constant 0 : index
    %get3A_0 = arith.constant 0 : index
    %get3A_1 = arith.constant 0 : index
    %get3A_2 = vector.load %arg2[%get3A, %get3A_0, %get3A_1] : memref<1x256x3xf32, #tpu.memory_space<vmem>>, vector<1x256x3xf32>
    %get3A_3 = vector.shape_cast %get3A_2 : vector<1x256x3xf32> to vector<256x3xf32>
    %get3A_4 = arith.constant 0 : index
    %get3A_5 = arith.constant 0 : index
    %get3A_6 = arith.constant 0 : index
    %get3A_7 = vector.load %arg3[%get3A_4, %get3A_5, %get3A_6] : memref<1x3x8192xf32, #tpu.memory_space<vmem>>, vector<1x3x8192xf32>
    %get3A_8 = vector.shape_cast %get3A_7 : vector<1x3x8192xf32> to vector<3x8192xf32>
    %get3A_9 = arith.constant 0 : index
    %get3A_10 = arith.constant 0 : index
    %get3A_11 = vector.load %arg4[%get3A_9, %get3A_10] : memref<1x128xi32, #tpu.memory_space<vmem>>, vector<1x1xi32>
    %get3A_12 = vector.extract %get3A_11[0, 0] : i32 from vector<1x1xi32>
    %dot_general3A = arith.constant dense<0.000000e+00> : vector<256x8192xf32>
    %dot_general3A_13 = tpu.matmul %get3A_3, %get3A_8, %dot_general3A {dimension_numbers = #tpu.dot_dimension_numbers<[1], [0], [0], [1], [0, 0, 1, 1], [], []>, transpose_lhs_hint = false} : vector<256x3xf32>, vector<3x8192xf32>, vector<256x8192xf32> -> vector<256x8192xf32>
    %slice3A = vector.extract_strided_slice %get3A_3 {offsets = [0, 0], sizes = [256, 1], strides = [1, 1]} : vector<256x3xf32> to vector<256x1xf32>
    %slice3A_14 = vector.extract_strided_slice %get3A_3 {offsets = [0, 1], sizes = [256, 1], strides = [1, 1]} : vector<256x3xf32> to vector<256x1xf32>
    %slice3A_15 = vector.extract_strided_slice %get3A_3 {offsets = [0, 2], sizes = [256, 1], strides = [1, 1]} : vector<256x3xf32> to vector<256x1xf32>
    %slice3A_16 = vector.extract_strided_slice %get3A_3 {offsets = [0, 2], sizes = [256, 1], strides = [1, 1]} : vector<256x3xf32> to vector<256x1xf32>
    %mul3A = arith.mulf %slice3A_15, %slice3A_16 : vector<256x1xf32>
    %bitcast_convert_type3A = tpu.bitcast %slice3A_14 : vector<256x1xf32> -> vector<256x1xi32>
    %and3A = arith.constant -4096 : i32
    %and3A_17 = vector.broadcast %and3A : i32 to vector<256x1xi32>
    %and3A_18 = arith.andi %bitcast_convert_type3A, %and3A_17 : vector<256x1xi32>
    %bitcast_convert_type3A_19 = tpu.bitcast %and3A_18 : vector<256x1xi32> -> vector<256x1xf32>
    %sub3A = arith.subf %slice3A_14, %bitcast_convert_type3A_19 : vector<256x1xf32>
    %mul3A_20 = arith.mulf %slice3A_14, %slice3A_14 : vector<256x1xf32>
    %mul3A_21 = arith.mulf %bitcast_convert_type3A_19, %bitcast_convert_type3A_19 : vector<256x1xf32>
    %sub3A_22 = arith.subf %mul3A_21, %mul3A_20 : vector<256x1xf32>
    %mul3A_23 = arith.mulf %bitcast_convert_type3A_19, %sub3A : vector<256x1xf32>
    %mul3A_24 = arith.mulf %bitcast_convert_type3A_19, %sub3A : vector<256x1xf32>
    %add3A = arith.addf %mul3A_23, %mul3A_24 : vector<256x1xf32>
    %add3A_25 = arith.addf %sub3A_22, %add3A : vector<256x1xf32>
    %mul3A_26 = arith.mulf %sub3A, %sub3A : vector<256x1xf32>
    %add3A_27 = arith.addf %add3A_25, %mul3A_26 : vector<256x1xf32>
    %add3A_28 = arith.addf %mul3A_20, %mul3A : vector<256x1xf32>
    %bitcast_convert_type3A_29 = tpu.bitcast %add3A_28 : vector<256x1xf32> -> vector<256x1xi32>
    %add3A_30 = vector.broadcast %get3A_12 : i32 to vector<256x1xi32>
    %add3A_31 = arith.addi %bitcast_convert_type3A_29, %add3A_30 : vector<256x1xi32>
    %bitcast_convert_type3A_32 = tpu.bitcast %add3A_31 : vector<256x1xi32> -> vector<256x1xf32>
    %sub3A_33 = arith.subf %bitcast_convert_type3A_32, %mul3A_20 : vector<256x1xf32>
    %bitcast_convert_type3A_34 = tpu.bitcast %sub3A_33 : vector<256x1xf32> -> vector<256x1xi32>
    %add3A_35 = vector.broadcast %get3A_12 : i32 to vector<256x1xi32>
    %add3A_36 = arith.addi %bitcast_convert_type3A_34, %add3A_35 : vector<256x1xi32>
    %bitcast_convert_type3A_37 = tpu.bitcast %add3A_36 : vector<256x1xi32> -> vector<256x1xf32>
    %sub3A_38 = arith.subf %bitcast_convert_type3A_32, %bitcast_convert_type3A_37 : vector<256x1xf32>
    %sub3A_39 = arith.subf %mul3A_20, %sub3A_38 : vector<256x1xf32>
    %sub3A_40 = arith.subf %mul3A, %bitcast_convert_type3A_37 : vector<256x1xf32>
    %add3A_41 = arith.addf %sub3A_39, %sub3A_40 : vector<256x1xf32>
    %add3A_42 = arith.addf %add3A_27, %add3A_41 : vector<256x1xf32>
    %add3A_43 = arith.addf %bitcast_convert_type3A_32, %add3A_42 : vector<256x1xf32>
    %bitcast_convert_type3A_44 = tpu.bitcast %slice3A : vector<256x1xf32> -> vector<256x1xi32>
    %and3A_45 = arith.constant -4096 : i32
    %and3A_46 = vector.broadcast %and3A_45 : i32 to vector<256x1xi32>
    %and3A_47 = arith.andi %bitcast_convert_type3A_44, %and3A_46 : vector<256x1xi32>
    %bitcast_convert_type3A_48 = tpu.bitcast %and3A_47 : vector<256x1xi32> -> vector<256x1xf32>
    %sub3A_49 = arith.subf %slice3A, %bitcast_convert_type3A_48 : vector<256x1xf32>
    %mul3A_50 = arith.mulf %slice3A, %slice3A : vector<256x1xf32>
    %mul3A_51 = arith.mulf %bitcast_convert_type3A_48, %bitcast_convert_type3A_48 : vector<256x1xf32>
    %sub3A_52 = arith.subf %mul3A_51, %mul3A_50 : vector<256x1xf32>
    %mul3A_53 = arith.mulf %bitcast_convert_type3A_48, %sub3A_49 : vector<256x1xf32>
    %mul3A_54 = arith.mulf %bitcast_convert_type3A_48, %sub3A_49 : vector<256x1xf32>
    %add3A_55 = arith.addf %mul3A_53, %mul3A_54 : vector<256x1xf32>
    %add3A_56 = arith.addf %sub3A_52, %add3A_55 : vector<256x1xf32>
    %mul3A_57 = arith.mulf %sub3A_49, %sub3A_49 : vector<256x1xf32>
    %add3A_58 = arith.addf %add3A_56, %mul3A_57 : vector<256x1xf32>
    %add3A_59 = arith.addf %mul3A_50, %add3A_43 : vector<256x1xf32>
    %bitcast_convert_type3A_60 = tpu.bitcast %add3A_59 : vector<256x1xf32> -> vector<256x1xi32>
    %add3A_61 = vector.broadcast %get3A_12 : i32 to vector<256x1xi32>
    %add3A_62 = arith.addi %bitcast_convert_type3A_60, %add3A_61 : vector<256x1xi32>
    %bitcast_convert_type3A_63 = tpu.bitcast %add3A_62 : vector<256x1xi32> -> vector<256x1xf32>
    %sub3A_64 = arith.subf %bitcast_convert_type3A_63, %mul3A_50 : vector<256x1xf32>
    %bitcast_convert_type3A_65 = tpu.bitcast %sub3A_64 : vector<256x1xf32> -> vector<256x1xi32>
    %add3A_66 = vector.broadcast %get3A_12 : i32 to vector<256x1xi32>
    %add3A_67 = arith.addi %bitcast_convert_type3A_65, %add3A_66 : vector<256x1xi32>
    %bitcast_convert_type3A_68 = tpu.bitcast %add3A_67 : vector<256x1xi32> -> vector<256x1xf32>
    %sub3A_69 = arith.subf %bitcast_convert_type3A_63, %bitcast_convert_type3A_68 : vector<256x1xf32>
    %sub3A_70 = arith.subf %mul3A_50, %sub3A_69 : vector<256x1xf32>
    %sub3A_71 = arith.subf %add3A_43, %bitcast_convert_type3A_68 : vector<256x1xf32>
    %add3A_72 = arith.addf %sub3A_70, %sub3A_71 : vector<256x1xf32>
    %add3A_73 = arith.addf %add3A_58, %add3A_72 : vector<256x1xf32>
    %add3A_74 = arith.addf %bitcast_convert_type3A_63, %add3A_73 : vector<256x1xf32>
    %slice3A_75 = vector.extract_strided_slice %get3A_8 {offsets = [0, 0], sizes = [1, 8192], strides = [1, 1]} : vector<3x8192xf32> to vector<1x8192xf32>
    %slice3A_76 = vector.extract_strided_slice %get3A_8 {offsets = [1, 0], sizes = [1, 8192], strides = [1, 1]} : vector<3x8192xf32> to vector<1x8192xf32>
    %slice3A_77 = vector.extract_strided_slice %get3A_8 {offsets = [2, 0], sizes = [1, 8192], strides = [1, 1]} : vector<3x8192xf32> to vector<1x8192xf32>
    %slice3A_78 = vector.extract_strided_slice %get3A_8 {offsets = [2, 0], sizes = [1, 8192], strides = [1, 1]} : vector<3x8192xf32> to vector<1x8192xf32>
    %mul3A_79 = arith.mulf %slice3A_77, %slice3A_78 : vector<1x8192xf32>
    %bitcast_convert_type3A_80 = tpu.bitcast %slice3A_76 : vector<1x8192xf32> -> vector<1x8192xi32>
    %and3A_81 = arith.constant -4096 : i32
    %and3A_82 = vector.broadcast %and3A_81 : i32 to vector<1x8192xi32>
    %and3A_83 = arith.andi %bitcast_convert_type3A_80, %and3A_82 : vector<1x8192xi32>
    %bitcast_convert_type3A_84 = tpu.bitcast %and3A_83 : vector<1x8192xi32> -> vector<1x8192xf32>
    %sub3A_85 = arith.subf %slice3A_76, %bitcast_convert_type3A_84 : vector<1x8192xf32>
    %mul3A_86 = arith.mulf %slice3A_76, %slice3A_76 : vector<1x8192xf32>
    %mul3A_87 = arith.mulf %bitcast_convert_type3A_84, %bitcast_convert_type3A_84 : vector<1x8192xf32>
    %sub3A_88 = arith.subf %mul3A_87, %mul3A_86 : vector<1x8192xf32>
    %mul3A_89 = arith.mulf %bitcast_convert_type3A_84, %sub3A_85 : vector<1x8192xf32>
    %mul3A_90 = arith.mulf %bitcast_convert_type3A_84, %sub3A_85 : vector<1x8192xf32>
    %add3A_91 = arith.addf %mul3A_89, %mul3A_90 : vector<1x8192xf32>
    %add3A_92 = arith.addf %sub3A_88, %add3A_91 : vector<1x8192xf32>
    %mul3A_93 = arith.mulf %sub3A_85, %sub3A_85 : vector<1x8192xf32>
    %add3A_94 = arith.addf %add3A_92, %mul3A_93 : vector<1x8192xf32>
    %add3A_95 = arith.addf %mul3A_86, %mul3A_79 : vector<1x8192xf32>
    %bitcast_convert_type3A_96 = tpu.bitcast %add3A_95 : vector<1x8192xf32> -> vector<1x8192xi32>
    %add3A_97 = vector.broadcast %get3A_12 : i32 to vector<1x8192xi32>
    %add3A_98 = arith.addi %bitcast_convert_type3A_96, %add3A_97 : vector<1x8192xi32>
    %bitcast_convert_type3A_99 = tpu.bitcast %add3A_98 : vector<1x8192xi32> -> vector<1x8192xf32>
    %sub3A_100 = arith.subf %bitcast_convert_type3A_99, %mul3A_86 : vector<1x8192xf32>
    %bitcast_convert_type3A_101 = tpu.bitcast %sub3A_100 : vector<1x8192xf32> -> vector<1x8192xi32>
    %add3A_102 = vector.broadcast %get3A_12 : i32 to vector<1x8192xi32>
    %add3A_103 = arith.addi %bitcast_convert_type3A_101, %add3A_102 : vector<1x8192xi32>
    %bitcast_convert_type3A_104 = tpu.bitcast %add3A_103 : vector<1x8192xi32> -> vector<1x8192xf32>
    %sub3A_105 = arith.subf %bitcast_convert_type3A_99, %bitcast_convert_type3A_104 : vector<1x8192xf32>
    %sub3A_106 = arith.subf %mul3A_86, %sub3A_105 : vector<1x8192xf32>
    %sub3A_107 = arith.subf %mul3A_79, %bitcast_convert_type3A_104 : vector<1x8192xf32>
    %add3A_108 = arith.addf %sub3A_106, %sub3A_107 : vector<1x8192xf32>
    %add3A_109 = arith.addf %add3A_94, %add3A_108 : vector<1x8192xf32>
    %add3A_110 = arith.addf %bitcast_convert_type3A_99, %add3A_109 : vector<1x8192xf32>
    %bitcast_convert_type3A_111 = tpu.bitcast %slice3A_75 : vector<1x8192xf32> -> vector<1x8192xi32>
    %and3A_112 = arith.constant -4096 : i32
    %and3A_113 = vector.broadcast %and3A_112 : i32 to vector<1x8192xi32>
    %and3A_114 = arith.andi %bitcast_convert_type3A_111, %and3A_113 : vector<1x8192xi32>
    %bitcast_convert_type3A_115 = tpu.bitcast %and3A_114 : vector<1x8192xi32> -> vector<1x8192xf32>
    %sub3A_116 = arith.subf %slice3A_75, %bitcast_convert_type3A_115 : vector<1x8192xf32>
    %mul3A_117 = arith.mulf %slice3A_75, %slice3A_75 : vector<1x8192xf32>
    %mul3A_118 = arith.mulf %bitcast_convert_type3A_115, %bitcast_convert_type3A_115 : vector<1x8192xf32>
    %sub3A_119 = arith.subf %mul3A_118, %mul3A_117 : vector<1x8192xf32>
    %mul3A_120 = arith.mulf %bitcast_convert_type3A_115, %sub3A_116 : vector<1x8192xf32>
    %mul3A_121 = arith.mulf %bitcast_convert_type3A_115, %sub3A_116 : vector<1x8192xf32>
    %add3A_122 = arith.addf %mul3A_120, %mul3A_121 : vector<1x8192xf32>
    %add3A_123 = arith.addf %sub3A_119, %add3A_122 : vector<1x8192xf32>
    %mul3A_124 = arith.mulf %sub3A_116, %sub3A_116 : vector<1x8192xf32>
    %add3A_125 = arith.addf %add3A_123, %mul3A_124 : vector<1x8192xf32>
    %add3A_126 = arith.addf %mul3A_117, %add3A_110 : vector<1x8192xf32>
    %bitcast_convert_type3A_127 = tpu.bitcast %add3A_126 : vector<1x8192xf32> -> vector<1x8192xi32>
    %add3A_128 = vector.broadcast %get3A_12 : i32 to vector<1x8192xi32>
    %add3A_129 = arith.addi %bitcast_convert_type3A_127, %add3A_128 : vector<1x8192xi32>
    %bitcast_convert_type3A_130 = tpu.bitcast %add3A_129 : vector<1x8192xi32> -> vector<1x8192xf32>
    %sub3A_131 = arith.subf %bitcast_convert_type3A_130, %mul3A_117 : vector<1x8192xf32>
    %bitcast_convert_type3A_132 = tpu.bitcast %sub3A_131 : vector<1x8192xf32> -> vector<1x8192xi32>
    %add3A_133 = vector.broadcast %get3A_12 : i32 to vector<1x8192xi32>
    %add3A_134 = arith.addi %bitcast_convert_type3A_132, %add3A_133 : vector<1x8192xi32>
    %bitcast_convert_type3A_135 = tpu.bitcast %add3A_134 : vector<1x8192xi32> -> vector<1x8192xf32>
    %sub3A_136 = arith.subf %bitcast_convert_type3A_130, %bitcast_convert_type3A_135 : vector<1x8192xf32>
    %sub3A_137 = arith.subf %mul3A_117, %sub3A_136 : vector<1x8192xf32>
    %sub3A_138 = arith.subf %add3A_110, %bitcast_convert_type3A_135 : vector<1x8192xf32>
    %add3A_139 = arith.addf %sub3A_137, %sub3A_138 : vector<1x8192xf32>
    %add3A_140 = arith.addf %add3A_125, %add3A_139 : vector<1x8192xf32>
    %add3A_141 = arith.addf %bitcast_convert_type3A_130, %add3A_140 : vector<1x8192xf32>
    %mul3A_142 = arith.constant -2.000000e+00 : f32
    %mul3A_143 = vector.broadcast %mul3A_142 : f32 to vector<256x8192xf32>
    %mul3A_144 = arith.mulf %mul3A_143, %dot_general3A_13 : vector<256x8192xf32>
    %add3A_145 = vector.broadcast %add3A_74 : vector<256x1xf32> to vector<256x8192xf32>
    %add3A_146 = arith.addf %mul3A_144, %add3A_145 : vector<256x8192xf32>
    %add3A_147 = vector.broadcast %add3A_141 : vector<1x8192xf32> to vector<256x8192xf32>
    %add3A_148 = arith.addf %add3A_146, %add3A_147 : vector<256x8192xf32>
    %iota3A = tpu.iota {dimensions = array<i32: 1>} : vector<256x8192xi32>
    %reduce_min3A = arith.constant dense<0x7F800000> : vector<256xf32>
    %reduce_min3A_149 = vector.multi_reduction <minimumf>, %add3A_148, %reduce_min3A [1] : vector<256x8192xf32> to vector<256xf32>
    %broadcast_in_dim3A = vector.shape_cast %reduce_min3A_149 : vector<256xf32> to vector<256x1xf32>
    %eq3A = vector.broadcast %broadcast_in_dim3A : vector<256x1xf32> to vector<256x8192xf32>
    %eq3A_150 = arith.cmpf oeq, %add3A_148, %eq3A : vector<256x8192xf32>
    %jit3A = arith.constant 16384 : i32
    %broadcast_in_dim3A_151 = vector.broadcast %jit3A : i32 to vector<256x8192xi32>
    %select_n3A = arith.select %eq3A_150, %iota3A, %broadcast_in_dim3A_151 : vector<256x8192xi1>, vector<256x8192xi32>
    %reduce_min3A_152 = arith.constant dense<2147483647> : vector<256xi32>
    %reduce_min3A_153 = vector.multi_reduction <minsi>, %select_n3A, %reduce_min3A_152 [1] : vector<256x8192xi32> to vector<256xi32>
    %broadcast_in_dim3A_154 = vector.shape_cast %reduce_min3A_153 : vector<256xi32> to vector<256x1xi32>
    %eq3A_155 = vector.broadcast %broadcast_in_dim3A_154 : vector<256x1xi32> to vector<256x8192xi32>
    %eq3A_156 = arith.cmpi eq, %select_n3A, %eq3A_155 : vector<256x8192xi32>
    %jit3A_157 = arith.constant 0x7F800000 : f32
    %broadcast_in_dim3A_158 = vector.broadcast %jit3A_157 : f32 to vector<256x8192xf32>
    %select_n3A_159 = arith.select %eq3A_156, %broadcast_in_dim3A_158, %add3A_148 : vector<256x8192xi1>, vector<256x8192xf32>
    %reduce_min3A_160 = arith.constant dense<0x7F800000> : vector<256xf32>
    %reduce_min3A_161 = vector.multi_reduction <minimumf>, %select_n3A_159, %reduce_min3A_160 [1] : vector<256x8192xf32> to vector<256xf32>
    %broadcast_in_dim3A_162 = vector.shape_cast %reduce_min3A_161 : vector<256xf32> to vector<256x1xf32>
    %eq3A_163 = vector.broadcast %broadcast_in_dim3A_162 : vector<256x1xf32> to vector<256x8192xf32>
    %eq3A_164 = arith.cmpf oeq, %select_n3A_159, %eq3A_163 : vector<256x8192xf32>
    %jit3A_165 = arith.constant 16384 : i32
    %broadcast_in_dim3A_166 = vector.broadcast %jit3A_165 : i32 to vector<256x8192xi32>
    %select_n3A_167 = arith.select %eq3A_164, %iota3A, %broadcast_in_dim3A_166 : vector<256x8192xi1>, vector<256x8192xi32>
    %reduce_min3A_168 = arith.constant dense<2147483647> : vector<256xi32>
    %reduce_min3A_169 = vector.multi_reduction <minsi>, %select_n3A_167, %reduce_min3A_168 [1] : vector<256x8192xi32> to vector<256xi32>
    %broadcast_in_dim3A_170 = vector.shape_cast %reduce_min3A_169 : vector<256xi32> to vector<256x1xi32>
    %eq3A_171 = vector.broadcast %broadcast_in_dim3A_170 : vector<256x1xi32> to vector<256x8192xi32>
    %eq3A_172 = arith.cmpi eq, %select_n3A_167, %eq3A_171 : vector<256x8192xi32>
    %jit3A_173 = arith.constant 0x7F800000 : f32
    %broadcast_in_dim3A_174 = vector.broadcast %jit3A_173 : f32 to vector<256x8192xf32>
    %select_n3A_175 = arith.select %eq3A_172, %broadcast_in_dim3A_174, %select_n3A_159 : vector<256x8192xi1>, vector<256x8192xf32>
    %reduce_min3A_176 = arith.constant dense<0x7F800000> : vector<256xf32>
    %reduce_min3A_177 = vector.multi_reduction <minimumf>, %select_n3A_175, %reduce_min3A_176 [1] : vector<256x8192xf32> to vector<256xf32>
    %broadcast_in_dim3A_178 = vector.shape_cast %reduce_min3A_177 : vector<256xf32> to vector<256x1xf32>
    %eq3A_179 = vector.broadcast %broadcast_in_dim3A_178 : vector<256x1xf32> to vector<256x8192xf32>
    %eq3A_180 = arith.cmpf oeq, %select_n3A_175, %eq3A_179 : vector<256x8192xf32>
    %jit3A_181 = arith.constant 16384 : i32
    %broadcast_in_dim3A_182 = vector.broadcast %jit3A_181 : i32 to vector<256x8192xi32>
    %select_n3A_183 = arith.select %eq3A_180, %iota3A, %broadcast_in_dim3A_182 : vector<256x8192xi1>, vector<256x8192xi32>
    %reduce_min3A_184 = arith.constant dense<2147483647> : vector<256xi32>
    %reduce_min3A_185 = vector.multi_reduction <minsi>, %select_n3A_183, %reduce_min3A_184 [1] : vector<256x8192xi32> to vector<256xi32>
    %broadcast_in_dim3A_186 = vector.shape_cast %reduce_min3A_185 : vector<256xi32> to vector<256x1xi32>
    %eq3A_187 = vector.broadcast %broadcast_in_dim3A_186 : vector<256x1xi32> to vector<256x8192xi32>
    %eq3A_188 = arith.cmpi eq, %select_n3A_183, %eq3A_187 : vector<256x8192xi32>
    %jit3A_189 = arith.constant 0x7F800000 : f32
    %broadcast_in_dim3A_190 = vector.broadcast %jit3A_189 : f32 to vector<256x8192xf32>
    %select_n3A_191 = arith.select %eq3A_188, %broadcast_in_dim3A_190, %select_n3A_175 : vector<256x8192xi1>, vector<256x8192xf32>
    %reduce_min3A_192 = arith.constant dense<0x7F800000> : vector<256xf32>
    %reduce_min3A_193 = vector.multi_reduction <minimumf>, %select_n3A_191, %reduce_min3A_192 [1] : vector<256x8192xf32> to vector<256xf32>
    %broadcast_in_dim3A_194 = vector.shape_cast %reduce_min3A_193 : vector<256xf32> to vector<256x1xf32>
    %eq3A_195 = vector.broadcast %broadcast_in_dim3A_194 : vector<256x1xf32> to vector<256x8192xf32>
    %eq3A_196 = arith.cmpf oeq, %select_n3A_191, %eq3A_195 : vector<256x8192xf32>
    %jit3A_197 = arith.constant 16384 : i32
    %broadcast_in_dim3A_198 = vector.broadcast %jit3A_197 : i32 to vector<256x8192xi32>
    %select_n3A_199 = arith.select %eq3A_196, %iota3A, %broadcast_in_dim3A_198 : vector<256x8192xi1>, vector<256x8192xi32>
    %reduce_min3A_200 = arith.constant dense<2147483647> : vector<256xi32>
    %reduce_min3A_201 = vector.multi_reduction <minsi>, %select_n3A_199, %reduce_min3A_200 [1] : vector<256x8192xi32> to vector<256xi32>
    %broadcast_in_dim3A_202 = vector.shape_cast %reduce_min3A_201 : vector<256xi32> to vector<256x1xi32>
    %eq3A_203 = vector.broadcast %broadcast_in_dim3A_202 : vector<256x1xi32> to vector<256x8192xi32>
    %eq3A_204 = arith.cmpi eq, %select_n3A_199, %eq3A_203 : vector<256x8192xi32>
    %jit3A_205 = arith.constant 0x7F800000 : f32
    %broadcast_in_dim3A_206 = vector.broadcast %jit3A_205 : f32 to vector<256x8192xf32>
    %select_n3A_207 = arith.select %eq3A_204, %broadcast_in_dim3A_206, %select_n3A_191 : vector<256x8192xi1>, vector<256x8192xf32>
    %reduce_min3A_208 = arith.constant dense<0x7F800000> : vector<256xf32>
    %reduce_min3A_209 = vector.multi_reduction <minimumf>, %select_n3A_207, %reduce_min3A_208 [1] : vector<256x8192xf32> to vector<256xf32>
    %broadcast_in_dim3A_210 = vector.shape_cast %reduce_min3A_209 : vector<256xf32> to vector<256x1xf32>
    %eq3A_211 = vector.broadcast %broadcast_in_dim3A_210 : vector<256x1xf32> to vector<256x8192xf32>
    %eq3A_212 = arith.cmpf oeq, %select_n3A_207, %eq3A_211 : vector<256x8192xf32>
    %jit3A_213 = arith.constant 16384 : i32
    %broadcast_in_dim3A_214 = vector.broadcast %jit3A_213 : i32 to vector<256x8192xi32>
    %select_n3A_215 = arith.select %eq3A_212, %iota3A, %broadcast_in_dim3A_214 : vector<256x8192xi1>, vector<256x8192xi32>
    %reduce_min3A_216 = arith.constant dense<2147483647> : vector<256xi32>
    %reduce_min3A_217 = vector.multi_reduction <minsi>, %select_n3A_215, %reduce_min3A_216 [1] : vector<256x8192xi32> to vector<256xi32>
    %broadcast_in_dim3A_218 = vector.shape_cast %reduce_min3A_217 : vector<256xi32> to vector<256x1xi32>
    %eq3A_219 = vector.broadcast %broadcast_in_dim3A_218 : vector<256x1xi32> to vector<256x8192xi32>
    %eq3A_220 = arith.cmpi eq, %select_n3A_215, %eq3A_219 : vector<256x8192xi32>
    %jit3A_221 = arith.constant 0x7F800000 : f32
    %broadcast_in_dim3A_222 = vector.broadcast %jit3A_221 : f32 to vector<256x8192xf32>
    %select_n3A_223 = arith.select %eq3A_220, %broadcast_in_dim3A_222, %select_n3A_207 : vector<256x8192xi1>, vector<256x8192xf32>
    %reduce_min3A_224 = arith.constant dense<0x7F800000> : vector<256xf32>
    %reduce_min3A_225 = vector.multi_reduction <minimumf>, %select_n3A_223, %reduce_min3A_224 [1] : vector<256x8192xf32> to vector<256xf32>
    %broadcast_in_dim3A_226 = vector.shape_cast %reduce_min3A_225 : vector<256xf32> to vector<256x1xf32>
    %eq3A_227 = vector.broadcast %broadcast_in_dim3A_226 : vector<256x1xf32> to vector<256x8192xf32>
    %eq3A_228 = arith.cmpf oeq, %select_n3A_223, %eq3A_227 : vector<256x8192xf32>
    %jit3A_229 = arith.constant 16384 : i32
    %broadcast_in_dim3A_230 = vector.broadcast %jit3A_229 : i32 to vector<256x8192xi32>
    %select_n3A_231 = arith.select %eq3A_228, %iota3A, %broadcast_in_dim3A_230 : vector<256x8192xi1>, vector<256x8192xi32>
    %reduce_min3A_232 = arith.constant dense<2147483647> : vector<256xi32>
    %reduce_min3A_233 = vector.multi_reduction <minsi>, %select_n3A_231, %reduce_min3A_232 [1] : vector<256x8192xi32> to vector<256xi32>
    %broadcast_in_dim3A_234 = vector.shape_cast %reduce_min3A_233 : vector<256xi32> to vector<256x1xi32>
    %eq3A_235 = vector.broadcast %broadcast_in_dim3A_234 : vector<256x1xi32> to vector<256x8192xi32>
    %eq3A_236 = arith.cmpi eq, %select_n3A_231, %eq3A_235 : vector<256x8192xi32>
    %jit3A_237 = arith.constant 0x7F800000 : f32
    %broadcast_in_dim3A_238 = vector.broadcast %jit3A_237 : f32 to vector<256x8192xf32>
    %select_n3A_239 = arith.select %eq3A_236, %broadcast_in_dim3A_238, %select_n3A_223 : vector<256x8192xi1>, vector<256x8192xf32>
    %reduce_min3A_240 = arith.constant dense<0x7F800000> : vector<256xf32>
    %reduce_min3A_241 = vector.multi_reduction <minimumf>, %select_n3A_239, %reduce_min3A_240 [1] : vector<256x8192xf32> to vector<256xf32>
    %broadcast_in_dim3A_242 = vector.shape_cast %reduce_min3A_241 : vector<256xf32> to vector<256x1xf32>
    %eq3A_243 = vector.broadcast %broadcast_in_dim3A_242 : vector<256x1xf32> to vector<256x8192xf32>
    %eq3A_244 = arith.cmpf oeq, %select_n3A_239, %eq3A_243 : vector<256x8192xf32>
    %jit3A_245 = arith.constant 16384 : i32
    %broadcast_in_dim3A_246 = vector.broadcast %jit3A_245 : i32 to vector<256x8192xi32>
    %select_n3A_247 = arith.select %eq3A_244, %iota3A, %broadcast_in_dim3A_246 : vector<256x8192xi1>, vector<256x8192xi32>
    %reduce_min3A_248 = arith.constant dense<2147483647> : vector<256xi32>
    %reduce_min3A_249 = vector.multi_reduction <minsi>, %select_n3A_247, %reduce_min3A_248 [1] : vector<256x8192xi32> to vector<256xi32>
    %broadcast_in_dim3A_250 = vector.shape_cast %reduce_min3A_249 : vector<256xi32> to vector<256x1xi32>
    %eq3A_251 = vector.broadcast %broadcast_in_dim3A_250 : vector<256x1xi32> to vector<256x8192xi32>
    %eq3A_252 = arith.cmpi eq, %select_n3A_247, %eq3A_251 : vector<256x8192xi32>
    %jit3A_253 = arith.constant 0x7F800000 : f32
    %broadcast_in_dim3A_254 = vector.broadcast %jit3A_253 : f32 to vector<256x8192xf32>
    %select_n3A_255 = arith.select %eq3A_252, %broadcast_in_dim3A_254, %select_n3A_239 : vector<256x8192xi1>, vector<256x8192xf32>
    %reduce_min3A_256 = arith.constant dense<0x7F800000> : vector<256xf32>
    %reduce_min3A_257 = vector.multi_reduction <minimumf>, %select_n3A_255, %reduce_min3A_256 [1] : vector<256x8192xf32> to vector<256xf32>
    %broadcast_in_dim3A_258 = vector.shape_cast %reduce_min3A_257 : vector<256xf32> to vector<256x1xf32>
    %eq3A_259 = vector.broadcast %broadcast_in_dim3A_258 : vector<256x1xf32> to vector<256x8192xf32>
    %eq3A_260 = arith.cmpf oeq, %select_n3A_255, %eq3A_259 : vector<256x8192xf32>
    %jit3A_261 = arith.constant 16384 : i32
    %broadcast_in_dim3A_262 = vector.broadcast %jit3A_261 : i32 to vector<256x8192xi32>
    %select_n3A_263 = arith.select %eq3A_260, %iota3A, %broadcast_in_dim3A_262 : vector<256x8192xi1>, vector<256x8192xi32>
    %reduce_min3A_264 = arith.constant dense<2147483647> : vector<256xi32>
    %reduce_min3A_265 = vector.multi_reduction <minsi>, %select_n3A_263, %reduce_min3A_264 [1] : vector<256x8192xi32> to vector<256xi32>
    %broadcast_in_dim3A_266 = vector.shape_cast %reduce_min3A_265 : vector<256xi32> to vector<256x1xi32>
    %eq3A_267 = vector.broadcast %broadcast_in_dim3A_266 : vector<256x1xi32> to vector<256x8192xi32>
    %eq3A_268 = arith.cmpi eq, %select_n3A_263, %eq3A_267 : vector<256x8192xi32>
    %jit3A_269 = arith.constant 0x7F800000 : f32
    %broadcast_in_dim3A_270 = vector.broadcast %jit3A_269 : f32 to vector<256x8192xf32>
    %select_n3A_271 = arith.select %eq3A_268, %broadcast_in_dim3A_270, %select_n3A_255 : vector<256x8192xi1>, vector<256x8192xf32>
    %reduce_min3A_272 = arith.constant dense<0x7F800000> : vector<256xf32>
    %reduce_min3A_273 = vector.multi_reduction <minimumf>, %select_n3A_271, %reduce_min3A_272 [1] : vector<256x8192xf32> to vector<256xf32>
    %broadcast_in_dim3A_274 = vector.shape_cast %reduce_min3A_273 : vector<256xf32> to vector<256x1xf32>
    %eq3A_275 = vector.broadcast %broadcast_in_dim3A_274 : vector<256x1xf32> to vector<256x8192xf32>
    %eq3A_276 = arith.cmpf oeq, %select_n3A_271, %eq3A_275 : vector<256x8192xf32>
    %jit3A_277 = arith.constant 16384 : i32
    %broadcast_in_dim3A_278 = vector.broadcast %jit3A_277 : i32 to vector<256x8192xi32>
    %select_n3A_279 = arith.select %eq3A_276, %iota3A, %broadcast_in_dim3A_278 : vector<256x8192xi1>, vector<256x8192xi32>
    %reduce_min3A_280 = arith.constant dense<2147483647> : vector<256xi32>
    %reduce_min3A_281 = vector.multi_reduction <minsi>, %select_n3A_279, %reduce_min3A_280 [1] : vector<256x8192xi32> to vector<256xi32>
    %broadcast_in_dim3A_282 = vector.shape_cast %reduce_min3A_281 : vector<256xi32> to vector<256x1xi32>
    %eq3A_283 = vector.broadcast %broadcast_in_dim3A_282 : vector<256x1xi32> to vector<256x8192xi32>
    %eq3A_284 = arith.cmpi eq, %select_n3A_279, %eq3A_283 : vector<256x8192xi32>
    %jit3A_285 = arith.constant 0x7F800000 : f32
    %broadcast_in_dim3A_286 = vector.broadcast %jit3A_285 : f32 to vector<256x8192xf32>
    %select_n3A_287 = arith.select %eq3A_284, %broadcast_in_dim3A_286, %select_n3A_271 : vector<256x8192xi1>, vector<256x8192xf32>
    %reduce_min3A_288 = arith.constant dense<0x7F800000> : vector<256xf32>
    %reduce_min3A_289 = vector.multi_reduction <minimumf>, %select_n3A_287, %reduce_min3A_288 [1] : vector<256x8192xf32> to vector<256xf32>
    %broadcast_in_dim3A_290 = vector.shape_cast %reduce_min3A_289 : vector<256xf32> to vector<256x1xf32>
    %eq3A_291 = vector.broadcast %broadcast_in_dim3A_290 : vector<256x1xf32> to vector<256x8192xf32>
    %eq3A_292 = arith.cmpf oeq, %select_n3A_287, %eq3A_291 : vector<256x8192xf32>
    %jit3A_293 = arith.constant 16384 : i32
    %broadcast_in_dim3A_294 = vector.broadcast %jit3A_293 : i32 to vector<256x8192xi32>
    %select_n3A_295 = arith.select %eq3A_292, %iota3A, %broadcast_in_dim3A_294 : vector<256x8192xi1>, vector<256x8192xi32>
    %reduce_min3A_296 = arith.constant dense<2147483647> : vector<256xi32>
    %reduce_min3A_297 = vector.multi_reduction <minsi>, %select_n3A_295, %reduce_min3A_296 [1] : vector<256x8192xi32> to vector<256xi32>
    %broadcast_in_dim3A_298 = vector.shape_cast %reduce_min3A_297 : vector<256xi32> to vector<256x1xi32>
    %eq3A_299 = vector.broadcast %broadcast_in_dim3A_298 : vector<256x1xi32> to vector<256x8192xi32>
    %eq3A_300 = arith.cmpi eq, %select_n3A_295, %eq3A_299 : vector<256x8192xi32>
    %jit3A_301 = arith.constant 0x7F800000 : f32
    %broadcast_in_dim3A_302 = vector.broadcast %jit3A_301 : f32 to vector<256x8192xf32>
    %select_n3A_303 = arith.select %eq3A_300, %broadcast_in_dim3A_302, %select_n3A_287 : vector<256x8192xi1>, vector<256x8192xf32>
    %reduce_min3A_304 = arith.constant dense<0x7F800000> : vector<256xf32>
    %reduce_min3A_305 = vector.multi_reduction <minimumf>, %select_n3A_303, %reduce_min3A_304 [1] : vector<256x8192xf32> to vector<256xf32>
    %broadcast_in_dim3A_306 = vector.shape_cast %reduce_min3A_305 : vector<256xf32> to vector<256x1xf32>
    %eq3A_307 = vector.broadcast %broadcast_in_dim3A_306 : vector<256x1xf32> to vector<256x8192xf32>
    %eq3A_308 = arith.cmpf oeq, %select_n3A_303, %eq3A_307 : vector<256x8192xf32>
    %jit3A_309 = arith.constant 16384 : i32
    %broadcast_in_dim3A_310 = vector.broadcast %jit3A_309 : i32 to vector<256x8192xi32>
    %select_n3A_311 = arith.select %eq3A_308, %iota3A, %broadcast_in_dim3A_310 : vector<256x8192xi1>, vector<256x8192xi32>
    %reduce_min3A_312 = arith.constant dense<2147483647> : vector<256xi32>
    %reduce_min3A_313 = vector.multi_reduction <minsi>, %select_n3A_311, %reduce_min3A_312 [1] : vector<256x8192xi32> to vector<256xi32>
    %broadcast_in_dim3A_314 = vector.shape_cast %reduce_min3A_313 : vector<256xi32> to vector<256x1xi32>
    %eq3A_315 = vector.broadcast %broadcast_in_dim3A_314 : vector<256x1xi32> to vector<256x8192xi32>
    %eq3A_316 = arith.cmpi eq, %select_n3A_311, %eq3A_315 : vector<256x8192xi32>
    %jit3A_317 = arith.constant 0x7F800000 : f32
    %broadcast_in_dim3A_318 = vector.broadcast %jit3A_317 : f32 to vector<256x8192xf32>
    %select_n3A_319 = arith.select %eq3A_316, %broadcast_in_dim3A_318, %select_n3A_303 : vector<256x8192xi1>, vector<256x8192xf32>
    %reduce_min3A_320 = arith.constant dense<0x7F800000> : vector<256xf32>
    %reduce_min3A_321 = vector.multi_reduction <minimumf>, %select_n3A_319, %reduce_min3A_320 [1] : vector<256x8192xf32> to vector<256xf32>
    %broadcast_in_dim3A_322 = vector.shape_cast %reduce_min3A_321 : vector<256xf32> to vector<256x1xf32>
    %eq3A_323 = vector.broadcast %broadcast_in_dim3A_322 : vector<256x1xf32> to vector<256x8192xf32>
    %eq3A_324 = arith.cmpf oeq, %select_n3A_319, %eq3A_323 : vector<256x8192xf32>
    %jit3A_325 = arith.constant 16384 : i32
    %broadcast_in_dim3A_326 = vector.broadcast %jit3A_325 : i32 to vector<256x8192xi32>
    %select_n3A_327 = arith.select %eq3A_324, %iota3A, %broadcast_in_dim3A_326 : vector<256x8192xi1>, vector<256x8192xi32>
    %reduce_min3A_328 = arith.constant dense<2147483647> : vector<256xi32>
    %reduce_min3A_329 = vector.multi_reduction <minsi>, %select_n3A_327, %reduce_min3A_328 [1] : vector<256x8192xi32> to vector<256xi32>
    %broadcast_in_dim3A_330 = vector.shape_cast %reduce_min3A_329 : vector<256xi32> to vector<256x1xi32>
    %eq3A_331 = vector.broadcast %broadcast_in_dim3A_330 : vector<256x1xi32> to vector<256x8192xi32>
    %eq3A_332 = arith.cmpi eq, %select_n3A_327, %eq3A_331 : vector<256x8192xi32>
    %jit3A_333 = arith.constant 0x7F800000 : f32
    %broadcast_in_dim3A_334 = vector.broadcast %jit3A_333 : f32 to vector<256x8192xf32>
    %select_n3A_335 = arith.select %eq3A_332, %broadcast_in_dim3A_334, %select_n3A_319 : vector<256x8192xi1>, vector<256x8192xf32>
    %reduce_min3A_336 = arith.constant dense<0x7F800000> : vector<256xf32>
    %reduce_min3A_337 = vector.multi_reduction <minimumf>, %select_n3A_335, %reduce_min3A_336 [1] : vector<256x8192xf32> to vector<256xf32>
    %broadcast_in_dim3A_338 = vector.shape_cast %reduce_min3A_337 : vector<256xf32> to vector<256x1xf32>
    %eq3A_339 = vector.broadcast %broadcast_in_dim3A_338 : vector<256x1xf32> to vector<256x8192xf32>
    %eq3A_340 = arith.cmpf oeq, %select_n3A_335, %eq3A_339 : vector<256x8192xf32>
    %jit3A_341 = arith.constant 16384 : i32
    %broadcast_in_dim3A_342 = vector.broadcast %jit3A_341 : i32 to vector<256x8192xi32>
    %select_n3A_343 = arith.select %eq3A_340, %iota3A, %broadcast_in_dim3A_342 : vector<256x8192xi1>, vector<256x8192xi32>
    %reduce_min3A_344 = arith.constant dense<2147483647> : vector<256xi32>
    %reduce_min3A_345 = vector.multi_reduction <minsi>, %select_n3A_343, %reduce_min3A_344 [1] : vector<256x8192xi32> to vector<256xi32>
    %broadcast_in_dim3A_346 = vector.shape_cast %reduce_min3A_345 : vector<256xi32> to vector<256x1xi32>
    %eq3A_347 = vector.broadcast %broadcast_in_dim3A_346 : vector<256x1xi32> to vector<256x8192xi32>
    %eq3A_348 = arith.cmpi eq, %select_n3A_343, %eq3A_347 : vector<256x8192xi32>
    %jit3A_349 = arith.constant 0x7F800000 : f32
    %broadcast_in_dim3A_350 = vector.broadcast %jit3A_349 : f32 to vector<256x8192xf32>
    %select_n3A_351 = arith.select %eq3A_348, %broadcast_in_dim3A_350, %select_n3A_335 : vector<256x8192xi1>, vector<256x8192xf32>
    %reduce_min3A_352 = arith.constant dense<0x7F800000> : vector<256xf32>
    %reduce_min3A_353 = vector.multi_reduction <minimumf>, %select_n3A_351, %reduce_min3A_352 [1] : vector<256x8192xf32> to vector<256xf32>
    %broadcast_in_dim3A_354 = vector.shape_cast %reduce_min3A_353 : vector<256xf32> to vector<256x1xf32>
    %eq3A_355 = vector.broadcast %broadcast_in_dim3A_354 : vector<256x1xf32> to vector<256x8192xf32>
    %eq3A_356 = arith.cmpf oeq, %select_n3A_351, %eq3A_355 : vector<256x8192xf32>
    %jit3A_357 = arith.constant 16384 : i32
    %broadcast_in_dim3A_358 = vector.broadcast %jit3A_357 : i32 to vector<256x8192xi32>
    %select_n3A_359 = arith.select %eq3A_356, %iota3A, %broadcast_in_dim3A_358 : vector<256x8192xi1>, vector<256x8192xi32>
    %reduce_min3A_360 = arith.constant dense<2147483647> : vector<256xi32>
    %reduce_min3A_361 = vector.multi_reduction <minsi>, %select_n3A_359, %reduce_min3A_360 [1] : vector<256x8192xi32> to vector<256xi32>
    %broadcast_in_dim3A_362 = vector.shape_cast %reduce_min3A_361 : vector<256xi32> to vector<256x1xi32>
    %eq3A_363 = vector.broadcast %broadcast_in_dim3A_362 : vector<256x1xi32> to vector<256x8192xi32>
    %eq3A_364 = arith.cmpi eq, %select_n3A_359, %eq3A_363 : vector<256x8192xi32>
    %jit3A_365 = arith.constant 0x7F800000 : f32
    %broadcast_in_dim3A_366 = vector.broadcast %jit3A_365 : f32 to vector<256x8192xf32>
    %select_n3A_367 = arith.select %eq3A_364, %broadcast_in_dim3A_366, %select_n3A_351 : vector<256x8192xi1>, vector<256x8192xf32>
    %reduce_min3A_368 = arith.constant dense<0x7F800000> : vector<256xf32>
    %reduce_min3A_369 = vector.multi_reduction <minimumf>, %select_n3A_367, %reduce_min3A_368 [1] : vector<256x8192xf32> to vector<256xf32>
    %broadcast_in_dim3A_370 = vector.shape_cast %reduce_min3A_369 : vector<256xf32> to vector<256x1xf32>
    %eq3A_371 = vector.broadcast %broadcast_in_dim3A_370 : vector<256x1xf32> to vector<256x8192xf32>
    %eq3A_372 = arith.cmpf oeq, %select_n3A_367, %eq3A_371 : vector<256x8192xf32>
    %jit3A_373 = arith.constant 16384 : i32
    %broadcast_in_dim3A_374 = vector.broadcast %jit3A_373 : i32 to vector<256x8192xi32>
    %select_n3A_375 = arith.select %eq3A_372, %iota3A, %broadcast_in_dim3A_374 : vector<256x8192xi1>, vector<256x8192xi32>
    %reduce_min3A_376 = arith.constant dense<2147483647> : vector<256xi32>
    %reduce_min3A_377 = vector.multi_reduction <minsi>, %select_n3A_375, %reduce_min3A_376 [1] : vector<256x8192xi32> to vector<256xi32>
    %broadcast_in_dim3A_378 = vector.shape_cast %reduce_min3A_377 : vector<256xi32> to vector<256x1xi32>
    %eq3A_379 = vector.broadcast %broadcast_in_dim3A_378 : vector<256x1xi32> to vector<256x8192xi32>
    %eq3A_380 = arith.cmpi eq, %select_n3A_375, %eq3A_379 : vector<256x8192xi32>
    %jit3A_381 = arith.constant 0x7F800000 : f32
    %broadcast_in_dim3A_382 = vector.broadcast %jit3A_381 : f32 to vector<256x8192xf32>
    %select_n3A_383 = arith.select %eq3A_380, %broadcast_in_dim3A_382, %select_n3A_367 : vector<256x8192xi1>, vector<256x8192xf32>
    %reduce_min3A_384 = arith.constant dense<0x7F800000> : vector<256xf32>
    %reduce_min3A_385 = vector.multi_reduction <minimumf>, %select_n3A_383, %reduce_min3A_384 [1] : vector<256x8192xf32> to vector<256xf32>
    %broadcast_in_dim3A_386 = vector.shape_cast %reduce_min3A_385 : vector<256xf32> to vector<256x1xf32>
    %eq3A_387 = vector.broadcast %broadcast_in_dim3A_386 : vector<256x1xf32> to vector<256x8192xf32>
    %eq3A_388 = arith.cmpf oeq, %select_n3A_383, %eq3A_387 : vector<256x8192xf32>
    %jit3A_389 = arith.constant 16384 : i32
    %broadcast_in_dim3A_390 = vector.broadcast %jit3A_389 : i32 to vector<256x8192xi32>
    %select_n3A_391 = arith.select %eq3A_388, %iota3A, %broadcast_in_dim3A_390 : vector<256x8192xi1>, vector<256x8192xi32>
    %reduce_min3A_392 = arith.constant dense<2147483647> : vector<256xi32>
    %reduce_min3A_393 = vector.multi_reduction <minsi>, %select_n3A_391, %reduce_min3A_392 [1] : vector<256x8192xi32> to vector<256xi32>
    %broadcast_in_dim3A_394 = vector.shape_cast %reduce_min3A_393 : vector<256xi32> to vector<256x1xi32>
    %concatenate3A = tpu.concatenate %broadcast_in_dim3A_154, %broadcast_in_dim3A_170, %broadcast_in_dim3A_186, %broadcast_in_dim3A_202, %broadcast_in_dim3A_218, %broadcast_in_dim3A_234, %broadcast_in_dim3A_250, %broadcast_in_dim3A_266, %broadcast_in_dim3A_282, %broadcast_in_dim3A_298, %broadcast_in_dim3A_314, %broadcast_in_dim3A_330, %broadcast_in_dim3A_346, %broadcast_in_dim3A_362, %broadcast_in_dim3A_378, %broadcast_in_dim3A_394 in 1 : vector<256x1xi32>, vector<256x1xi32>, vector<256x1xi32>, vector<256x1xi32>, vector<256x1xi32>, vector<256x1xi32>, vector<256x1xi32>, vector<256x1xi32>, vector<256x1xi32>, vector<256x1xi32>, vector<256x1xi32>, vector<256x1xi32>, vector<256x1xi32>, vector<256x1xi32>, vector<256x1xi32>, vector<256x1xi32> -> vector<256x16xi32>
    %swap3A = arith.constant 0 : index
    %swap3A_395 = arith.constant 0 : index
    %swap3A_396 = arith.constant 0 : index
    %swap3A_397 = vector.load %arg5[%swap3A, %swap3A_395, %swap3A_396] : memref<1x256x16xi32, #tpu.memory_space<vmem>>, vector<1x256x16xi32>
    %swap3A_398 = vector.shape_cast %swap3A_397 : vector<1x256x16xi32> to vector<256x16xi32>
    %swap3A_399 = vector.shape_cast %concatenate3A : vector<256x16xi32> to vector<1x256x16xi32>
    tpu.vector_store %arg5[%swap3A, %swap3A_395, %swap3A_396], %swap3A_399 {strides = array<i32>} : memref<1x256x16xi32, #tpu.memory_space<vmem>>, vector<1x256x16xi32>,
    return
  }
  func.func @transform_0(%arg0: i32, %arg1: i32) -> (i32, i32, i32) {
    %c0_i32 = arith.constant 0 : i32
    %c0_i32_0 = arith.constant 0 : i32
    return %arg0, %arg1, %c0_i32 : i32, i32, i32
  }
  func.func @transform_1(%arg0: i32, %arg1: i32) -> (i32, i32, i32) {
    %c0_i32 = arith.constant 0 : i32
    %c0_i32_0 = arith.constant 0 : i32
    %c0_i32_1 = arith.constant 0 : i32
    return %arg0, %c0_i32, %c0_i32_0 : i32, i32, i32
  }
  func.func @transform_2(%arg0: i32, %arg1: i32) -> (i32, i32) {
    %c0_i32 = arith.constant 0 : i32
    %c0_i32_0 = arith.constant 0 : i32
    %c0_i32_1 = arith.constant 0 : i32
    return %c0_i32, %c0_i32_0 : i32, i32
  }
  func.func @transform_3(%arg0: i32, %arg1: i32) -> (i32, i32, i32) {
    %c0_i32 = arith.constant 0 : i32
    %c0_i32_0 = arith.constant 0 : i32
    return %arg0, %arg1, %c0_i32 : i32, i32, i32
  }
}

module attributes {stable_mosaic.version = 14 : i64} {
  func.func @_dense_body(%arg0: i32, %arg1: memref<2048x128xf32, #tpu.memory_space<vmem>>, %arg2: memref<128x3xf32, #tpu.memory_space<vmem>>, %arg3: memref<3x8xf32, #tpu.memory_space<vmem>>, %arg4: memref<1x8xf32, #tpu.memory_space<vmem>>, %arg5: memref<8x8xf32, #tpu.memory_space<vmem>>, %arg6: memref<1x8xf32, #tpu.memory_space<vmem>>, %arg7: memref<8x16xf32, #tpu.memory_space<vmem>>, %arg8: memref<1x16xf32, #tpu.memory_space<vmem>>, %arg9: memref<67x1024xf32, #tpu.memory_space<vmem>>, %arg10: memref<16x1024xf32, #tpu.memory_space<vmem>>, %arg11: memref<1024x64xf32, #tpu.memory_space<vmem>>, %arg12: memref<2048x128xf32, #tpu.memory_space<vmem>>, %arg13: memref<1x64xf32, #tpu.memory_space<vmem>>, %arg14: memref<128x64xf32, #tpu.memory_space<vmem>>) attributes {dimension_semantics = [#tpu.dimension_semantics<arbitrary>], iteration_bounds = array<i64: 16>, scalar_prefetch = 0 : i64, scratch_operands = 0 : i64, tpu.core_type = #tpu.core_type<tc>, window_params = [{transform_indices = @transform_0, window_bounds = array<i64: 2048, 128>}, {transform_indices = @transform_1, window_bounds = array<i64: 128, 3>}, {pipeline_mode = #tpu.pipeline_mode<synchronous>, transform_indices = @transform_2, window_bounds = array<i64: 3, 8>}, {pipeline_mode = #tpu.pipeline_mode<synchronous>, transform_indices = @transform_3, window_bounds = array<i64: 1, 8>}, {pipeline_mode = #tpu.pipeline_mode<synchronous>, transform_indices = @transform_4, window_bounds = array<i64: 8, 8>}, {pipeline_mode = #tpu.pipeline_mode<synchronous>, transform_indices = @transform_5, window_bounds = array<i64: 1, 8>}, {pipeline_mode = #tpu.pipeline_mode<synchronous>, transform_indices = @transform_6, window_bounds = array<i64: 8, 16>}, {pipeline_mode = #tpu.pipeline_mode<synchronous>, transform_indices = @transform_7, window_bounds = array<i64: 1, 16>}, {pipeline_mode = #tpu.pipeline_mode<synchronous>, transform_indices = @transform_8, window_bounds = array<i64: 67, 1024>}, {pipeline_mode = #tpu.pipeline_mode<synchronous>, transform_indices = @transform_9, window_bounds = array<i64: 16, 1024>}, {pipeline_mode = #tpu.pipeline_mode<synchronous>, transform_indices = @transform_10, window_bounds = array<i64: 1024, 64>}, {pipeline_mode = #tpu.pipeline_mode<synchronous>, transform_indices = @transform_11, window_bounds = array<i64: 2048, 128>}, {pipeline_mode = #tpu.pipeline_mode<synchronous>, transform_indices = @transform_12, window_bounds = array<i64: 1, 64>}, {transform_indices = @transform_13, window_bounds = array<i64: 128, 64>}]} {
    %get3A = arith.constant 0 : index
    %get3A_0 = arith.constant 0 : index
    %get3A_1 = vector.load %arg1[%get3A, %get3A_0] : memref<2048x128xf32, #tpu.memory_space<vmem>>, vector<2048x128xf32>
    %get3A_2 = arith.constant 0 : index
    %get3A_3 = arith.constant 0 : index
    %get3A_4 = vector.load %arg2[%get3A_2, %get3A_3] : memref<128x3xf32, #tpu.memory_space<vmem>>, vector<128x3xf32>
    %get3A_5 = arith.constant 0 : index
    %get3A_6 = arith.constant 0 : index
    %get3A_7 = vector.load %arg12[%get3A_5, %get3A_6] : memref<2048x128xf32, #tpu.memory_space<vmem>>, vector<2048x128xf32>
    %dot_general3A = arith.constant dense<0.000000e+00> : vector<2048x3xf32>
    %dot_general3A_8 = tpu.matmul %get3A_7, %get3A_4, %dot_general3A {dimension_numbers = #tpu.dot_dimension_numbers<[1], [0], [0], [1], [0, 0, 1, 1], [], []>, transpose_lhs_hint = false} : vector<2048x128xf32>, vector<128x3xf32>, vector<2048x3xf32> -> vector<2048x3xf32>
    %slice3A = vector.extract_strided_slice %get3A_1 {offsets = [0, 0], sizes = [2048, 3], strides = [1, 1]} : vector<2048x128xf32> to vector<2048x3xf32>
    %sub3A = arith.subf %slice3A, %dot_general3A_8 : vector<2048x3xf32>
    %get3A_9 = arith.constant 0 : index
    %get3A_10 = arith.constant 0 : index
    %get3A_11 = vector.load %arg3[%get3A_9, %get3A_10] : memref<3x8xf32, #tpu.memory_space<vmem>>, vector<3x8xf32>
    %dot_general3A_12 = arith.constant dense<0.000000e+00> : vector<2048x8xf32>
    %dot_general3A_13 = tpu.matmul %sub3A, %get3A_11, %dot_general3A_12 {dimension_numbers = #tpu.dot_dimension_numbers<[1], [0], [0], [1], [0, 0, 1, 1], [], []>, transpose_lhs_hint = false} : vector<2048x3xf32>, vector<3x8xf32>, vector<2048x8xf32> -> vector<2048x8xf32>
    %get3A_14 = arith.constant 0 : index
    %get3A_15 = arith.constant 0 : index
    %get3A_16 = vector.load %arg4[%get3A_14, %get3A_15] : memref<1x8xf32, #tpu.memory_space<vmem>>, vector<1x8xf32>
    %add3A = vector.broadcast %get3A_16 : vector<1x8xf32> to vector<2048x8xf32>
    %add3A_17 = arith.addf %dot_general3A_13, %add3A : vector<2048x8xf32>
    %max3A = arith.constant 0.000000e+00 : f32
    %max3A_18 = vector.broadcast %max3A : f32 to vector<2048x8xf32>
    %max3A_19 = arith.maximumf %add3A_17, %max3A_18 : vector<2048x8xf32>
    %get3A_20 = arith.constant 0 : index
    %get3A_21 = arith.constant 0 : index
    %get3A_22 = vector.load %arg5[%get3A_20, %get3A_21] : memref<8x8xf32, #tpu.memory_space<vmem>>, vector<8x8xf32>
    %dot_general3A_23 = arith.constant dense<0.000000e+00> : vector<2048x8xf32>
    %dot_general3A_24 = tpu.matmul %max3A_19, %get3A_22, %dot_general3A_23 {dimension_numbers = #tpu.dot_dimension_numbers<[1], [0], [0], [1], [0, 0, 1, 1], [], []>, transpose_lhs_hint = false} : vector<2048x8xf32>, vector<8x8xf32>, vector<2048x8xf32> -> vector<2048x8xf32>
    %get3A_25 = arith.constant 0 : index
    %get3A_26 = arith.constant 0 : index
    %get3A_27 = vector.load %arg6[%get3A_25, %get3A_26] : memref<1x8xf32, #tpu.memory_space<vmem>>, vector<1x8xf32>
    %add3A_28 = vector.broadcast %get3A_27 : vector<1x8xf32> to vector<2048x8xf32>
    %add3A_29 = arith.addf %dot_general3A_24, %add3A_28 : vector<2048x8xf32>
    %max3A_30 = arith.constant 0.000000e+00 : f32
    %max3A_31 = vector.broadcast %max3A_30 : f32 to vector<2048x8xf32>
    %max3A_32 = arith.maximumf %add3A_29, %max3A_31 : vector<2048x8xf32>
    %get3A_33 = arith.constant 0 : index
    %get3A_34 = arith.constant 0 : index
    %get3A_35 = vector.load %arg7[%get3A_33, %get3A_34] : memref<8x16xf32, #tpu.memory_space<vmem>>, vector<8x16xf32>
    %dot_general3A_36 = arith.constant dense<0.000000e+00> : vector<2048x16xf32>
    %dot_general3A_37 = tpu.matmul %max3A_32, %get3A_35, %dot_general3A_36 {dimension_numbers = #tpu.dot_dimension_numbers<[1], [0], [0], [1], [0, 0, 1, 1], [], []>, transpose_lhs_hint = false} : vector<2048x8xf32>, vector<8x16xf32>, vector<2048x16xf32> -> vector<2048x16xf32>
    %get3A_38 = arith.constant 0 : index
    %get3A_39 = arith.constant 0 : index
    %get3A_40 = vector.load %arg8[%get3A_38, %get3A_39] : memref<1x16xf32, #tpu.memory_space<vmem>>, vector<1x16xf32>
    %add3A_41 = vector.broadcast %get3A_40 : vector<1x16xf32> to vector<2048x16xf32>
    %add3A_42 = arith.addf %dot_general3A_37, %add3A_41 : vector<2048x16xf32>
    %max3A_43 = arith.constant 0.000000e+00 : f32
    %max3A_44 = vector.broadcast %max3A_43 : f32 to vector<2048x16xf32>
    %max3A_45 = arith.maximumf %add3A_42, %max3A_44 : vector<2048x16xf32>
    %slice3A_46 = vector.extract_strided_slice %get3A_1 {offsets = [0, 16], sizes = [2048, 64], strides = [1, 1]} : vector<2048x128xf32> to vector<2048x64xf32>
    %concatenate3A = tpu.concatenate %sub3A, %slice3A_46 in 1 : vector<2048x3xf32>, vector<2048x64xf32> -> vector<2048x67xf32>
    %get3A_47 = arith.constant 0 : index
    %get3A_48 = arith.constant 0 : index
    %get3A_49 = vector.load %arg9[%get3A_47, %get3A_48] : memref<67x1024xf32, #tpu.memory_space<vmem>>, vector<67x1024xf32>
    %dot_general3A_50 = arith.constant dense<0.000000e+00> : vector<2048x1024xf32>
    %dot_general3A_51 = tpu.matmul %concatenate3A, %get3A_49, %dot_general3A_50 {dimension_numbers = #tpu.dot_dimension_numbers<[1], [0], [0], [1], [0, 0, 1, 1], [], []>, transpose_lhs_hint = false} : vector<2048x67xf32>, vector<67x1024xf32>, vector<2048x1024xf32> -> vector<2048x1024xf32>
    %get3A_52 = arith.constant 0 : index
    %get3A_53 = arith.constant 0 : index
    %get3A_54 = vector.load %arg10[%get3A_52, %get3A_53] : memref<16x1024xf32, #tpu.memory_space<vmem>>, vector<16x1024xf32>
    %dot_general3A_55 = arith.constant dense<0.000000e+00> : vector<2048x1024xf32>
    %dot_general3A_56 = tpu.matmul %max3A_45, %get3A_54, %dot_general3A_55 {dimension_numbers = #tpu.dot_dimension_numbers<[1], [0], [0], [1], [0, 0, 1, 1], [], []>, transpose_lhs_hint = false} : vector<2048x16xf32>, vector<16x1024xf32>, vector<2048x1024xf32> -> vector<2048x1024xf32>
    %mul3A = arith.mulf %dot_general3A_51, %dot_general3A_56 : vector<2048x1024xf32>
    %get3A_57 = arith.constant 0 : index
    %get3A_58 = arith.constant 0 : index
    %get3A_59 = vector.load %arg11[%get3A_57, %get3A_58] : memref<1024x64xf32, #tpu.memory_space<vmem>>, vector<1024x64xf32>
    %dot_general3A_60 = arith.constant dense<0.000000e+00> : vector<2048x64xf32>
    %dot_general3A_61 = tpu.matmul %mul3A, %get3A_59, %dot_general3A_60 {dimension_numbers = #tpu.dot_dimension_numbers<[1], [0], [0], [1], [0, 0, 1, 1], [], []>, transpose_lhs_hint = false} : vector<2048x1024xf32>, vector<1024x64xf32>, vector<2048x64xf32> -> vector<2048x64xf32>
    %reshape3A = vector.shape_cast %dot_general3A_61 : vector<2048x64xf32> to vector<128x16x64xf32>
    %reduce_sum3A = arith.constant dense<0.000000e+00> : vector<128x64xf32>
    %reduce_sum3A_62 = vector.multi_reduction <add>, %reshape3A, %reduce_sum3A [1] : vector<128x16x64xf32> to vector<128x64xf32>
    %get3A_63 = arith.constant 0 : index
    %get3A_64 = arith.constant 0 : index
    %get3A_65 = vector.load %arg13[%get3A_63, %get3A_64] : memref<1x64xf32, #tpu.memory_space<vmem>>, vector<1x64xf32>
    %add3A_66 = vector.broadcast %get3A_65 : vector<1x64xf32> to vector<128x64xf32>
    %add3A_67 = arith.addf %reduce_sum3A_62, %add3A_66 : vector<128x64xf32>
    %gt3A = arith.constant 0.000000e+00 : f32
    %gt3A_68 = vector.broadcast %gt3A : f32 to vector<128x64xf32>
    %gt3A_69 = arith.cmpf ogt, %add3A_67, %gt3A_68 : vector<128x64xf32>
    %mul3A_70 = arith.constant 1.000000e-01 : f32
    %mul3A_71 = vector.broadcast %mul3A_70 : f32 to vector<128x64xf32>
    %mul3A_72 = arith.mulf %mul3A_71, %add3A_67 : vector<128x64xf32>
    %select_n3A = arith.select %gt3A_69, %add3A_67, %mul3A_72 : vector<128x64xi1>, vector<128x64xf32>
    %swap3A = arith.constant 0 : index
    %swap3A_73 = arith.constant 0 : index
    %swap3A_74 = vector.load %arg14[%swap3A, %swap3A_73] : memref<128x64xf32, #tpu.memory_space<vmem>>, vector<128x64xf32>
    tpu.vector_store %arg14[%swap3A, %swap3A_73], %select_n3A {strides = array<i32>} : memref<128x64xf32, #tpu.memory_space<vmem>>, vector<128x64xf32>,
    return
  }
  func.func @transform_0(%arg0: i32) -> (i32, i32) {
    %c0_i32 = arith.constant 0 : i32
    %c0_i32_0 = arith.constant 0 : i32
    return %arg0, %c0_i32 : i32, i32
  }
  func.func @transform_1(%arg0: i32) -> (i32, i32) {
    %c0_i32 = arith.constant 0 : i32
    %c0_i32_0 = arith.constant 0 : i32
    return %arg0, %c0_i32 : i32, i32
  }
  func.func @transform_2(%arg0: i32) -> (i32, i32) {
    %c0_i32 = arith.constant 0 : i32
    %c0_i32_0 = arith.constant 0 : i32
    %c0_i32_1 = arith.constant 0 : i32
    return %c0_i32, %c0_i32_0 : i32, i32
  }
  func.func @transform_3(%arg0: i32) -> (i32, i32) {
    %c0_i32 = arith.constant 0 : i32
    %c0_i32_0 = arith.constant 0 : i32
    %c0_i32_1 = arith.constant 0 : i32
    return %c0_i32, %c0_i32_0 : i32, i32
  }
  func.func @transform_4(%arg0: i32) -> (i32, i32) {
    %c0_i32 = arith.constant 0 : i32
    %c0_i32_0 = arith.constant 0 : i32
    %c0_i32_1 = arith.constant 0 : i32
    return %c0_i32, %c0_i32_0 : i32, i32
  }
  func.func @transform_5(%arg0: i32) -> (i32, i32) {
    %c0_i32 = arith.constant 0 : i32
    %c0_i32_0 = arith.constant 0 : i32
    %c0_i32_1 = arith.constant 0 : i32
    return %c0_i32, %c0_i32_0 : i32, i32
  }
  func.func @transform_6(%arg0: i32) -> (i32, i32) {
    %c0_i32 = arith.constant 0 : i32
    %c0_i32_0 = arith.constant 0 : i32
    %c0_i32_1 = arith.constant 0 : i32
    return %c0_i32, %c0_i32_0 : i32, i32
  }
  func.func @transform_7(%arg0: i32) -> (i32, i32) {
    %c0_i32 = arith.constant 0 : i32
    %c0_i32_0 = arith.constant 0 : i32
    %c0_i32_1 = arith.constant 0 : i32
    return %c0_i32, %c0_i32_0 : i32, i32
  }
  func.func @transform_8(%arg0: i32) -> (i32, i32) {
    %c0_i32 = arith.constant 0 : i32
    %c0_i32_0 = arith.constant 0 : i32
    %c0_i32_1 = arith.constant 0 : i32
    return %c0_i32, %c0_i32_0 : i32, i32
  }
  func.func @transform_9(%arg0: i32) -> (i32, i32) {
    %c0_i32 = arith.constant 0 : i32
    %c0_i32_0 = arith.constant 0 : i32
    %c0_i32_1 = arith.constant 0 : i32
    return %c0_i32, %c0_i32_0 : i32, i32
  }
  func.func @transform_10(%arg0: i32) -> (i32, i32) {
    %c0_i32 = arith.constant 0 : i32
    %c0_i32_0 = arith.constant 0 : i32
    %c0_i32_1 = arith.constant 0 : i32
    return %c0_i32, %c0_i32_0 : i32, i32
  }
  func.func @transform_11(%arg0: i32) -> (i32, i32) {
    %c0_i32 = arith.constant 0 : i32
    %c0_i32_0 = arith.constant 0 : i32
    %c0_i32_1 = arith.constant 0 : i32
    return %c0_i32, %c0_i32_0 : i32, i32
  }
  func.func @transform_12(%arg0: i32) -> (i32, i32) {
    %c0_i32 = arith.constant 0 : i32
    %c0_i32_0 = arith.constant 0 : i32
    %c0_i32_1 = arith.constant 0 : i32
    return %c0_i32, %c0_i32_0 : i32, i32
  }
  func.func @transform_13(%arg0: i32) -> (i32, i32) {
    %c0_i32 = arith.constant 0 : i32
    %c0_i32_0 = arith.constant 0 : i32
    return %arg0, %c0_i32 : i32, i32
  }
}

</mosaic_0001>

<sc_bundles>
// kernel: kernel.6.cloned.1.call-start
scs
__scs_entry_jumppad:
0x0: {  	(pc) =	sbr.rel $0x88, $3  }
0x1: {  	(tag) =	ssettag $0x0;
	lr =	simm.s32 $0x1  }
0x2: {  	[smem:$0x3F97] =	sst lr;
	_ =	strace $0xD0000000  }
0x3: {  	_ = 	snop  }
0x4: {  	_ = 	snop  }
0x5: {  	_ = 	snop  }
0x6: {  	_ = 	snop  }
0x7: {  	_ = 	snop  }
__scs_overlays_trampoline_lowered:
0x8: {  	[smem:$0x3FA6] =	sst s0  }
0x9: {  	[smem:$0x3FA7] =	sst s1  }
0xa: {  	[smem:$0x3FA8] =	sst s2  }
0xb: {  	[smem:$0x3FA9] =	sst s3  }
0xc: {  	[smem:$0x3FAA] =	sst s4  }
0xd: {  	[smem:$0x3FAB] =	sst s5  }
0xe: {  	[smem:$0x3FAC] =	sst s6  }
0xf: {  	[smem:$0x3FAD] =	sst s7  }
0x10: {  	[smem:$0x3FAE] =	sst s8  }
0x11: {  	[smem:$0x3FAF] =	sst s9;
	s0 =	simm.s32 @!p0 $0x0  }
0x12: {  	s1 =	sld [smem:$0x3F95];
	s0 =	simm.s32 @p0 $0x1  }
0x13: {  	[smem:$0x3FB0] =	sst s0;
	s0 =	simm.s32 @!p1 $0x0  }
0x14: {  	s2 =	sld [smem:$0x3F94];
	s0 =	simm.s32 @p1 $0x1  }
0x15: {  	[smem:$0x3FB1] =	sst s0;
	s0 =	simm.s32 @!p2 $0x0  }
0x16: {  	s3 =	sld [smem:$0x3FDB];
	s0 =	simm.s32 @p2 $0x1  }
0x17: {  	s4 =	simm.s32 $0x1BF5;
	[smem:$0x3FB3] =	sst s0  }
0x18: {  	s0 =	sld [smem:$0x3F96];
	_ =	swait.ge [sflag:s4], $0x0  }
0x19: {  	s7 =	sld [smem:$0x3F97]  }
0x1a: {  	s8 =	sadd.s32 $0xFFFFE003, lr  }
0x1b: {  	s9 =	sadd.s32 $0xFFFFFEF7, lr;
	s5 =	simm.s32 $0xFFFFFFFF;
	p2 =	slt.u32 s8, $0xFFFFF086  }
0x1c: {  	p1 =	slt.u32 s9, $0xF7A;
	s5 =	simm.s32 @!p2 $0x0  }
0x1d: {  	s5 =	simm.s32 @p1 $0x1;
	p0 =	seq.s32 s7, s2  }
0x1e: {  	s7 =	smul.u32 @!p0 $0xF7A, s2;
	p2 =	seq.s32 @!p0 s5, $0x0  }
0x1f: {  	s9 =	smul.u32 $0xF7A, s1;
	s8 =	simm.s32 @!p0 $0x1BF5;
	p2 =	por !p2, p0  }
0x20: {  	[sflag:s8] =	ssyncset.s32 @!p0 $0xFFFFF086;
	s6 =	sadd.s32 @!p0 s3, s7;
	s7 =	simm.s32 @!p0 $0x108  }
0x21: {  	s3 =	sadd.s32 s3, s9;
	s6 =	sadd.s32 @!p0 $0x88, s6;
	s7 =	simm.s32 @p2 $0x1082  }
0x22: {  	[simem:s7], [sflag:s8] =	dma.local @!p0 [hbm:s6], $0xF7A  }
0x23: {  	s9 =	sor.u32 $0xD0000000, s2;
	s6 =	simm.s32 $0x108;
	_ =	swait.ge @!p0 [sflag:s8], $0x0  }
0x24: {  	s3 =	sadd.s32 $0x88, s3;
	s6 =	simm.s32 @!p1 $0x1082;
	[sflag:s4] =	ssyncset.s32 $0xFFFFF086  }
0x25: {  	[simem:s6], [sflag:s4] =	dma.local [hbm:s3], $0xF7A  }
0x26: {  	[smem:$0x3F97] =	sst s1;
	(tag) =	ssettag s2;
	_ =	strace s9  }
0x27: {  	s1 =	sld [smem:$0x3FA7]  }
0x28: {  	s2 =	sld [smem:$0x3FA8]  }
0x29: {  	s4 =	sld [smem:$0x3FAA]  }
0x2a: {  	p0 =	seq.s32 s5, $0x0;
	s5 =	sld [smem:$0x3FAB]  }
0x2b: {  	s6 =	sld [smem:$0x3FAC]  }
0x2c: {  	s7 =	sld [smem:$0x3FAD]  }
0x2d: {  	s3 =	simm.s32 $0x108;
	s8 =	sld [smem:$0x3FAE]  }
0x2e: {  	s3 =	simm.s32 @!p0 $0x1082;
	s9 =	sld [smem:$0x3FAF]  }
0x2f: {  	lr =	sadd.s32 s0, s3;
	s0 =	sld [smem:$0x3FA6]  }
0x30: {  	s3 =	sld [smem:$0x3FA9]  }
0x31: {  	[smem:$0x3FB2] =	sst s10  }
0x32: {  	s10 =	sld [smem:$0x3FB0];
	_ =	sdelay $0x3  }
0x33: {  	p0 =	seq.s32 s10, $0x1;
	s10 =	sld [smem:$0x3FB2];
	_ =	sdelay $0x3  }
0x34: {  	[smem:$0x3FB2] =	sst s10  }
0x35: {  	s10 =	sld [smem:$0x3FB1];
	_ =	sdelay $0x3  }
0x36: {  	p1 =	seq.s32 s10, $0x1;
	s10 =	sld [smem:$0x3FB2];
	_ =	sdelay $0x3  }
0x37: {  	[smem:$0x3FB2] =	sst s10  }
0x38: {  	s10 =	sld [smem:$0x3FB3]  }
0x39: {  	_ = 	snop;
	(pc) =	sbr.ind lr, $3  }
0x3a: {  	_ = 	snop  }
0x3b: {  	_ = 	snop  }
0x3c: {  	p2 =	seq.s32 s10, $0x1;
	s10 =	sld [smem:$0x3FB2]  }
0x3d: {  	_ =	shalt  }
0x3e: {  	_ =	shalt  }
0x3f: {  	_ =	shalt  }
0x40: {  	_ =	shalt  }
0x41: {  	_ =	shalt  }
0x42: {  	_ =	shalt  }
0x43: {  	_ =	shalt  }
0x44: {  	_ =	shalt  }
0x45: {  	_ =	shalt  }
0x46: {  	_ =	shalt  }
0x47: {  	_ =	shalt  }
0x48: {  	_ =	shalt  }
0x49: {  	_ =	shalt  }
0x4a: {  	_ =	shalt  }
0x4b: {  	_ =	shalt  }
0x4c: {  	_ =	shalt  }
0x4d: {  	_ =	shalt  }
0x4e: {  	_ =	shalt  }
0x4f: {  	_ =	shalt  }
0x50: {  	_ =	shalt  }
0x51: {  	_ =	shalt  }
0x52: {  	_ =	shalt  }
0x53: {  	_ =	shalt  }
0x54: {  	_ =	shalt  }
0x55: {  	_ =	shalt  }
0x56: {  	_ =	shalt  }
0x57: {  	_ =	shalt  }
0x58: {  	_ =	shalt  }
0x59: {  	_ =	shalt  }
0x5a: {  	_ =	shalt  }
0x5b: {  	_ =	shalt  }
0x5c: {  	_ =	shalt  }
0x5d: {  	_ =	shalt  }
0x5e: {  	_ =	shalt  }
0x5f: {  	_ =	shalt  }
0x60: {  	_ =	shalt  }
0x61: {  	_ =	shalt  }
0x62: {  	_ =	shalt  }
0x63: {  	_ =	shalt  }
0x64: {  	_ =	shalt  }
0x65: {  	_ =	shalt  }
0x66: {  	_ =	shalt  }
0x67: {  	_ =	shalt  }
0x68: {  	_ =	shalt  }
0x69: {  	_ =	shalt  }
0x6a: {  	_ =	shalt  }
0x6b: {  	_ =	shalt  }
0x6c: {  	_ =	shalt  }
0x6d: {  	_ =	shalt  }
0x6e: {  	_ =	shalt  }
0x6f: {  	_ =	shalt  }
0x70: {  	_ =	shalt  }
0x71: {  	_ =	shalt  }
0x72: {  	_ =	shalt  }
0x73: {  	_ =	shalt  }
0x74: {  	_ =	shalt  }
0x75: {  	_ =	shalt  }
0x76: {  	_ =	shalt  }
0x77: {  	_ =	shalt  }
0x78: {  	_ =	shalt  }
0x79: {  	_ =	shalt  }
0x7a: {  	_ =	shalt  }
0x7b: {  	_ =	shalt  }
0x7c: {  	_ =	shalt  }
0x7d: {  	_ =	shalt  }
0x7e: {  	_ =	shalt  }
0x7f: {  	_ =	shalt  }
0x80: {  	_ =	shalt  }
0x81: {  	_ =	shalt  }
0x82: {  	_ =	shalt  }
0x83: {  	_ =	shalt  }
0x84: {  	_ =	shalt  }
0x85: {  	_ =	shalt  }
0x86: {  	_ =	shalt  }
0x87: {  	_ =	shalt  }
.Lfunc_end0:
.L_simem_size_0:
called_computation_lowered:
.L_overlay_start_0:
0x88: {  	s2 =	sld [smem:$0x3FD9]  }
0x89: {  	s3 =	sld [smem:$0x3FFE];
	_ =	sdelay $0x1  }
0x8a: {  	s1 =	srdreg.scid  }
0x8b: {  	s0 =	sand.u32 $0x1, s1  }
0x8c: {  	s14 =	sshll.u32 s0, $0xA;
	s2 =	sadd.s32 s3, s2  }
0x8d: {  	s2 =	sadd.s32 s2, s14  }
0x8e: {  	[smem:$0x3FBE] =	sst s2  }
0x8f: {  	_ = 	snop  }
0x90: {  	s2 =	sld [smem:$0x3FD0];
	_ =	sdelay $0x2  }
0x91: {  	s15 =	simm.s32 $0xA;
	s4 =	simm.s32 $0x10  }
0x92: {  	[smem:s4], [sflag:s15] =	dma.local [hbm:s2], $0x1  }
0x93: {  	_ =	swait.eq [sflag:s15], $0x1  }
0x94: {  	[sflag:s15] =	ssyncset.done $0x0  }
0x95: {  	[sflag:s15] =	ssyncadd.s32 $0xFFFFFFFF  }
0x96: {  	s16 =	sld [smem:$0x11];
	(tm) =	ssettm $0x1  }
0x97: {  	s17 =	sld [smem:$0x3FFB];
	_ =	sdelay $0x3  }
0x98: {  	_ =	strace s17  }
0x99: {  	s3 =	sld [smem:$0x3FFC];
	_ =	sdelay $0x3  }
0x9a: {  	_ =	strace s3  }
0x9b: {  	s3 =	sld [smem:$0x3FFD];
	_ =	sdelay $0x3  }
0x9c: {  	_ =	strace s3  }
0x9d: {  	_ =	strace $0x8FFFFFFF  }
0x9e: {  	s18 =	sld [smem:$0x3FDB];
	_ =	sdelay $0x1  }
0x9f: {  	s19 =	simm.s32 $_scs_section_size  }
0xa0: {  	s5 =	simm.s32 $_size__tile_overlayer_lowered;
	s6 =	simm.s32 $_tile_overlayer_lowered  }
0xa1: {  	s22 =	simm.s32 $0x1BFF;
	s21 =	sshll.u32 s6, $0x1;
	s3 =	sadd.s32 s19, s18  }
0xa2: {  	s7 =	simm.s32 $0x0;
	s20 =	sshll.u32 s5, $0x1;
	s5 =	sadd.s32 s21, s3  }
0xa3: {  	[timem:s7], [sflag:s22] =	dma.local [hbm:s5], s20  }
0xa4: {  	_ =	swait.ge [sflag:s22], s20  }
0xa5: {  	s4 =	ssub.s32 $0x0, s20;
	[sflag:s22] =	ssyncset.done $0x0  }
0xa6: {  	[sflag:s22] =	ssyncadd.s32 s4;
	_ =	sdelay $0x1  }
0xa7: {  	s23 =	simm.s32 $0x1B8B  }
0xa8: {  	_ =	swait.ge [sflag:s23], $0x1  }
0xa9: {  	[sflag:s23] =	ssyncset.done $0x0  }
0xaa: {  	s25 =	simm.s32 $0x1B8E;
	s24 =	sld [smem:$0x3FFE];
	[sflag:s23] =	ssyncadd.s32 $0xFFFFFFFF  }
0xab: {  	s26 =	simm.s32 $execute0_lowered;
	[smem:$0x3FD2] =	sst s25  }
0xac: {  	s5 =	sshll.u32 s26, $0x1;
	_ =	strace $0x80000046;
	[dreg:$0x1] =	wrdreg $0xFFFFFFFF  }
0xad: {  	s28 =	simm.s32 $_size_execute0_lowered;
	s3 =	sadd.s32 s3, s5;
	[dreg:$0x0] =	wrdreg $0x0  }
0xae: {  	s5 =	sshll.u32 s28, $0x1;
	[dreg:$0x2] =	wrdreg s3  }
0xaf: {  	[dreg:$0x3] =	wrdreg s5  }
0xb0: {  	[dreg:$0x4] =	wrdreg $0xC0  }
0xb1: {  	_ =	task [dreg:s7], $0x5FFFF  }
0xb2: {  	[dreg:$0x1] =	wrdreg $0xFFFFFFFF  }
0xb3: {  	[dreg:$0x0] =	wrdreg $0x60  }
0xb4: {  	[dreg:$0x2] =	wrdreg s24  }
0xb5: {  	[dreg:$0x3] =	wrdreg s16  }
0xb6: {  	[dreg:$0x4] =	wrdreg $0x9  }
0xb7: {  	_ =	task.clear_ibuf [dreg:s7], $0x5FFFF;
	_ =	strace $0x90000046  }
0xb8: {  	s29 =	simm.s32 $0x9;
	_ =	strace $0x80000048  }
0xb9: {  	_ =	swait.ge [sflag:s29], $0x1  }
0xba: {  	[sflag:s29] =	ssyncadd.s32 $0xFFFFFFFF  }
0xbb: {  	_ =	strace $0x90000048  }
0xbc: {  	_ =	sfence  }
0xbd: {  	s30 =	sld [smem:$0x0];
	_ =	sdelay $0x2  }
0xbe: {  	s31 =	sshll.u32 s1, $0xD;
	s1 =	sshrl.u32 s1, $0x2  }
0xbf: {  	s3 =	sand.u32 $0x4000, s31;
	s1 =	sadd.s32 s1, s30  }
0xc0: {  	s0 =	sor.u32 s3, s0;
	s1 =	sshll.u32 s1, $0x11  }
0xc1: {  	s0 =	sor.u32 s1, s0  }
0xc2: {  	s0 =	sadd.s32 $0x8F2B, s0  }
0xc3: {  	[sflag:s0] =	ssyncadd.remote.s32 $0x1  }
0xc4: {  	_ =	sfence.sel $0xFFFF  }
0xc5: {  	[dreg:$0x0] =	wrdreg $0xFFFFFFFF;
	(pc) =	sbr.abs _section_cstart, $3  }
0xc6: {  	[dreg:$0x1] =	wrdreg $0xFFFFFFFF  }
0xc7: {  	_ =	task.clear_ibuf [dreg:s7], $0x2FFFF;
	_ =	strace $0x9FFFFFFF  }
0xc8: {  	(tm) =	ssettm $0x7FFFFFFF  }
0xc9: {  	_ =	shalt  }
tec
execute0_lowered:
.L_overlay_start_1:
0x0: {  	(tag) =	ssettag $0x1  }
0x1: {  	s1 =	srdreg.scid  }
0x2: {  	s14 =	rddreg [dreg:$0x0];
	s0 =	stileid.u32;
	s19 =	sand.u32 $0x1, s1  }
0x3: {  	s3 =	rddreg [dreg:$0x1];
	s4 =	sshll.u32 s0, $0xB;
	s5 =	sshll.u32 s19, $0xA  }
0x4: {  	s2 =	simm.s32 $0x0;
	s1 =	rddreg [dreg:$0x2];
	s15 =	sor.u32 s5, s4  }
0x5: {  	[smem:$0x7FF] =	sst s2;
	s4 =	sshrl.u32 s15, $0x3  }
0x6: {  	_ =	strace $0x80000047;
	s4 =	sadd.s32 s3, s4;
	s3 =	simm.s32 $0x2  }
0x7: {  	[tilespmem:s2], [sflag:$0x2] =	stream.linear.gather [hbm4b:s4+s2], $0x400, $0x38;
	[tilespmem:$0x10400] =	vst v63  }
0x8: {  	_ =	swait.ge [sflag:s3], $0x400  }
0x9: {  	s6 =	simm.s32 $0x80;
	[sflag:s3] =	ssyncset.done $0x0  }
0xa: {  	s7 =	simm.s32 $0x400;
	s5 =	sadd.s32 $0x1A00, s14;
	[sflag:s3] =	ssyncadd.s32 $0xFFFFFC00  }
0xb: {  	[tilespmem:s7], [sflag:$0x1] =	stream.indirect.gather [hbm4b:s5+s6], $0x80, s2, s6, $0xb8;
	[tilespmem:$0x10400] =	vst v63  }
0xc: {  	s8 =	simm.s32 $0x4400  }
0xd: {  	[tilespmem:s8], [sflag:$0x1] =	stream.indirect.gather [hbm4b:s5+s6], $0x80, s6, s6, $0xb8;
	[tilespmem:$0x10400] =	vst v63  }
0xe: {  	s9 =	simm.s32 $0x100;
	s10 =	simm.s32 $0x8400  }
0xf: {  	[tilespmem:s10], [sflag:$0x1] =	stream.indirect.gather [hbm4b:s5+s6], $0x80, s9, s6, $0xb8;
	[tilespmem:$0x10400] =	vst v63  }
0x10: {  	s11 =	simm.s32 $0x180;
	s12 =	simm.s32 $0xC400;
	s13 =	simm.s32 $0x1  }
0x11: {  	[tilespmem:s12], [sflag:$0x1] =	stream.indirect.gather [hbm4b:s5+s6], $0x80, s11, s6, $0xb8;
	[tilespmem:$0x10400] =	vst v63  }
0x12: {  	_ =	swait.ge [sflag:s13], $0x4000  }
0x13: {  	[sflag:s13] =	ssyncset.done $0x0  }
0x14: {  	[sflag:s13] =	ssyncadd.s32 $0xFFFFC000  }
0x15: {  	_ =	swait.ge [sflag:s13], $0x4000  }
0x16: {  	[sflag:s13] =	ssyncset.done $0x0  }
0x17: {  	[sflag:s13] =	ssyncadd.s32 $0xFFFFC000  }
0x18: {  	_ =	swait.ge [sflag:s13], $0x4000  }
0x19: {  	[sflag:s13] =	ssyncset.done $0x0  }
0x1a: {  	[sflag:s13] =	ssyncadd.s32 $0xFFFFC000  }
0x1b: {  	s15 =	sshll.u32 s15, $0x4;
	_ =	swait.ge [sflag:s13], $0x4000  }
0x1c: {  	s20 =	sadd.s32 s15, s14;
	[sflag:s13] =	ssyncset.done $0x0  }
0x1d: {  	s14 =	sadd.s32 $0x41A00, s20;
	[sflag:s13] =	ssyncadd.s32 $0xFFFFC000  }
0x1e: {  	[hbm4b:s14+s2] =	stream.linear.scatter [tilespmem:s7], [sflag:$0x2], $0x10000, $0x38;
	[tilespmem:$0x10400] =	vst v63  }
0x1f: {  	_ =	swait.ge [sflag:s3], $0x10000  }
0x20: {  	[sflag:s3] =	ssyncset.done $0x0  }
0x21: {  	s15 =	simm.s32 $0x200;
	[sflag:s3] =	ssyncadd.s32 $0xFFFF0000  }
0x22: {  	[tilespmem:s7], [sflag:$0x1] =	stream.indirect.gather [hbm4b:s5+s6], $0x80, s15, s6, $0xb8;
	[tilespmem:$0x10400] =	vst v63  }
0x23: {  	s16 =	simm.s32 $0x280  }
0x24: {  	[tilespmem:s8], [sflag:$0x1] =	stream.indirect.gather [hbm4b:s5+s6], $0x80, s16, s6, $0xb8;
	[tilespmem:$0x10400] =	vst v63  }
0x25: {  	s17 =	simm.s32 $0x300  }
0x26: {  	[tilespmem:s10], [sflag:$0x1] =	stream.indirect.gather [hbm4b:s5+s6], $0x80, s17, s6, $0xb8;
	[tilespmem:$0x10400] =	vst v63  }
0x27: {  	s18 =	simm.s32 $0x380  }
0x28: {  	[tilespmem:s12], [sflag:$0x1] =	stream.indirect.gather [hbm4b:s5+s6], $0x80, s18, s6, $0xb8;
	[tilespmem:$0x10400] =	vst v63  }
0x29: {  	_ =	swait.ge [sflag:s13], $0x4000  }
0x2a: {  	[sflag:s13] =	ssyncset.done $0x0  }
0x2b: {  	[sflag:s13] =	ssyncadd.s32 $0xFFFFC000  }
0x2c: {  	_ =	swait.ge [sflag:s13], $0x4000  }
0x2d: {  	[sflag:s13] =	ssyncset.done $0x0  }
0x2e: {  	s19 =	ssub.s32 $0x2, s19;
	[sflag:s13] =	ssyncadd.s32 $0xFFFFC000  }
0x2f: {  	s21 =	sshrl.u32 s19, $0x1;
	_ =	swait.ge [sflag:s13], $0x4000  }
0x30: {  	s21 =	ssub.s32 s19, s21;
	[sflag:s13] =	ssyncset.done $0x0  }
0x31: {  	s31 =	smax.u32 s21, $0x1;
	[sflag:s13] =	ssyncadd.s32 $0xFFFFC000  }
0x32: {  	p0 =	sne.s32 s31, $0x1;
	_ =	swait.ge [sflag:s13], $0x4000  }
.Ltmp0:
0x33: {  	[sflag:s13] =	ssyncset.done $0x0;
	(pc) =	sbr.rel @!p0 .LBB2_2-.Ltmp0, $4  }
0x34: {  	s19 =	sadd.s32 $0x43A00, s20;
	[sflag:s13] =	ssyncadd.s32 $0xFFFFC000  }
0x35: {  	[hbm4b:s19+s2] =	stream.linear.scatter [tilespmem:s7], [sflag:$0x2], $0x10000, $0x38;
	[tilespmem:$0x10400] =	vst v63  }
0x36: {  	_ =	swait.ge [sflag:s3], $0x10000  }
0x37: {  	s20 =	sadd.s32 $0xFFFFFFFF, s31;
	[sflag:s3] =	ssyncset.done $0x0  }
.LBB2_1:
0x38: {  	p0 =	sne.s32 s20, $0x1;
	s20 =	sadd.s32 $0xFFFFFFFF, s20;
	[sflag:s3] =	ssyncadd.s32 $0xFFFF0000  }
0x39: {  	[tilespmem:s2], [sflag:$0x2] =	stream.linear.gather [hbm4b:s4+s2], $0x400, $0x38;
	[tilespmem:$0x10400] =	vst v63  }
0x3a: {  	_ =	swait.ge [sflag:s3], $0x400  }
0x3b: {  	[sflag:s3] =	ssyncset.done $0x0  }
0x3c: {  	[sflag:s3] =	ssyncadd.s32 $0xFFFFFC00  }
0x3d: {  	[tilespmem:s7], [sflag:$0x1] =	stream.indirect.gather [hbm4b:s5+s6], $0x80, s2, s6, $0xb8;
	[tilespmem:$0x10400] =	vst v63  }
0x3e: {  	_ = 	snop  }
0x3f: {  	[tilespmem:s8], [sflag:$0x1] =	stream.indirect.gather [hbm4b:s5+s6], $0x80, s6, s6, $0xb8;
	[tilespmem:$0x10400] =	vst v63  }
0x40: {  	_ = 	snop  }
0x41: {  	[tilespmem:s10], [sflag:$0x1] =	stream.indirect.gather [hbm4b:s5+s6], $0x80, s9, s6, $0xb8;
	[tilespmem:$0x10400] =	vst v63  }
0x42: {  	_ = 	snop  }
0x43: {  	[tilespmem:s12], [sflag:$0x1] =	stream.indirect.gather [hbm4b:s5+s6], $0x80, s11, s6, $0xb8;
	[tilespmem:$0x10400] =	vst v63  }
0x44: {  	_ =	swait.ge [sflag:s13], $0x4000  }
0x45: {  	[sflag:s13] =	ssyncset.done $0x0  }
0x46: {  	[sflag:s13] =	ssyncadd.s32 $0xFFFFC000  }
0x47: {  	_ =	swait.ge [sflag:s13], $0x4000  }
0x48: {  	[sflag:s13] =	ssyncset.done $0x0  }
0x49: {  	[sflag:s13] =	ssyncadd.s32 $0xFFFFC000  }
0x4a: {  	_ =	swait.ge [sflag:s13], $0x4000  }
0x4b: {  	[sflag:s13] =	ssyncset.done $0x0  }
0x4c: {  	[sflag:s13] =	ssyncadd.s32 $0xFFFFC000  }
0x4d: {  	_ =	swait.ge [sflag:s13], $0x4000  }
0x4e: {  	[sflag:s13] =	ssyncset.done $0x0  }
0x4f: {  	[sflag:s13] =	ssyncadd.s32 $0xFFFFC000  }
0x50: {  	[hbm4b:s14+s2] =	stream.linear.scatter [tilespmem:s7], [sflag:$0x2], $0x10000, $0x38;
	[tilespmem:$0x10400] =	vst v63  }
0x51: {  	_ =	swait.ge [sflag:s3], $0x10000  }
0x52: {  	[sflag:s3] =	ssyncset.done $0x0  }
0x53: {  	[sflag:s3] =	ssyncadd.s32 $0xFFFF0000  }
0x54: {  	[tilespmem:s7], [sflag:$0x1] =	stream.indirect.gather [hbm4b:s5+s6], $0x80, s15, s6, $0xb8;
	[tilespmem:$0x10400] =	vst v63  }
0x55: {  	_ = 	snop  }
0x56: {  	[tilespmem:s8], [sflag:$0x1] =	stream.indirect.gather [hbm4b:s5+s6], $0x80, s16, s6, $0xb8;
	[tilespmem:$0x10400] =	vst v63  }
0x57: {  	_ = 	snop  }
0x58: {  	[tilespmem:s10], [sflag:$0x1] =	stream.indirect.gather [hbm4b:s5+s6], $0x80, s17, s6, $0xb8;
	[tilespmem:$0x10400] =	vst v63  }
0x59: {  	_ = 	snop  }
0x5a: {  	[tilespmem:s12], [sflag:$0x1] =	stream.indirect.gather [hbm4b:s5+s6], $0x80, s18, s6, $0xb8;
	[tilespmem:$0x10400] =	vst v63  }
0x5b: {  	_ =	swait.ge [sflag:s13], $0x4000  }
0x5c: {  	[sflag:s13] =	ssyncset.done $0x0  }
0x5d: {  	[sflag:s13] =	ssyncadd.s32 $0xFFFFC000  }
0x5e: {  	_ =	swait.ge [sflag:s13], $0x4000  }
0x5f: {  	[sflag:s13] =	ssyncset.done $0x0  }
0x60: {  	[sflag:s13] =	ssyncadd.s32 $0xFFFFC000  }
0x61: {  	_ =	swait.ge [sflag:s13], $0x4000  }
0x62: {  	[sflag:s13] =	ssyncset.done $0x0  }
0x63: {  	[sflag:s13] =	ssyncadd.s32 $0xFFFFC000  }
0x64: {  	_ =	swait.ge [sflag:s13], $0x4000  }
.Ltmp1:
0x65: {  	[sflag:s13] =	ssyncset.done $0x0;
	(pc) =	sbr.rel @p0 .LBB2_1-.Ltmp1, $4  }
0x66: {  	[sflag:s13] =	ssyncadd.s32 $0xFFFFC000  }
0x67: {  	[hbm4b:s19+s2] =	stream.linear.scatter [tilespmem:s7], [sflag:$0x2], $0x10000, $0x38;
	[tilespmem:$0x10400] =	vst v63  }
0x68: {  	_ =	swait.ge [sflag:s3], $0x10000  }
0x69: {  	[sflag:s3] =	ssyncset.done $0x0  }
.LBB2_2:
0x6a: {  	[sflag:s3] =	ssyncadd.s32 $0xFFFF0000  }
0x6b: {  	_ =	sfence.sel $0x180000  }
0x6c: {  	[bflag:$0x0] =	sbarrier.arrive $0xFFFF  }
0x6d: {  	p0 =	sne.s32 s0, $0x0;
	_ =	strace $0x90000047  }
0x6e: {  	s0 =	sadd.s32 @!p0 $0x100000, s1;
	[bflag:$0x2] =	sbarrier.arrive $0xFFFF  }
0x6f: {  	[sflag:s0] =	ssyncadd.tile.s32 @!p0 $0x1;
	_ =	shalt  }
.Lfunc_end2:
_tile_overlayer_lowered:
.L_overlay_start_2:
0x70: {  	(tag) =	ssettag $0x2  }
0x71: {  	s0 =	rddreg [dreg:$0x0];
	s2 =	stileid.u32  }
0x72: {  	s1 =	rddreg [dreg:$0x1];
	p0 =	sne.s32 s2, $0x0  }
0x73: {  	s3 =	rddreg [dreg:$0x2];
	[bflag:$0x3] =	sbarrier.arrive $0xFFFF;
	s2 =	simm.s32 @!p0 $0x1C02  }
0x74: {  	[timem:s3], [sflag:s2] =	dma.local @!p0 [hbm:s0], s1  }
0x75: {  	s0 =	simm.s32 @!p0 $0x2  }
0x76: {  	_ =	swait.ge @!p0 [sflag:s0], s1  }
0x77: {  	s1 =	ssub.s32 @!p0 $0x0, s1;
	[sflag:s0] =	ssyncset.done @!p0 $0x0  }
0x78: {  	[sflag:s0] =	ssyncadd.s32 @!p0 s1  }
0x79: {  	[bflag:$0x3] =	sbarrier.arrive $0xFFFF  }
0x7a: {  	_ =	shalt  }

</sc_bundles>
